<compile_context>
chip_gen: v7x
topology: tpu7x:2x2x1
jax: 0.10.2.dev20260603
libtpu: 0.0.44.dev20260713+nightly
codegen_flags: <defaults>
</compile_context>

<pallas_src>
import functools

import jax
import jax.numpy as jnp
from jax import lax
from jax.experimental import pallas as pl
from jax.experimental.pallas import tpu as pltpu
from jax.experimental.pallas import tpu_sc as plsc

CHUNK = 16


@functools.lru_cache(maxsize=None)
def _make_lookup(n_tok: int, d: int):
    info = plsc.get_sparse_core_info()
    nc, ns = info.num_cores, info.num_subcores
    nw = nc * ns
    assert n_tok % (nw * CHUNK) == 0
    tok_per_w = n_tok // nw
    n_chunks = tok_per_w // CHUNK
    mesh = plsc.VectorSubcoreMesh(core_axis_name="c", subcore_axis_name="s")

    nbuf = 6

    @functools.partial(
        pl.kernel,
        mesh=mesh,
        out_type=jax.ShapeDtypeStruct((n_tok, d), jnp.float32),
        scratch_types=[
            pltpu.VMEM((tok_per_w,), jnp.int32),
        ]
        + [pltpu.VMEM((CHUNK, d), jnp.float32) for _ in range(nbuf)]
        + [pltpu.SemaphoreType.DMA for _ in range(2 * nbuf)],
    )
    def lookup(tok_hbm, table_hbm, out_hbm, idx_v, *bufs_and_sems):
        rows = bufs_and_sems[:nbuf]
        gsem = bufs_and_sems[nbuf : 2 * nbuf]
        wsem = bufs_and_sems[2 * nbuf : 3 * nbuf]
        wid = lax.axis_index("s") * nc + lax.axis_index("c")
        base = wid * tok_per_w
        pltpu.sync_copy(tok_hbm.at[pl.ds(base, tok_per_w)], idx_v)
        g = [None] * nbuf
        w = [None] * nbuf
        for j in range(n_chunks + 1):
            if j < n_chunks:
                b = j % nbuf
                if w[b] is not None:
                    w[b].wait()
                g[b] = pltpu.async_copy(
                    table_hbm.at[idx_v.at[pl.ds(j * CHUNK, CHUNK)]],
                    rows[b],
                    gsem[b],
                )
            if j >= 1:
                pb = (j - 1) % nbuf
                g[pb].wait()
                w[pb] = pltpu.async_copy(
                    rows[pb],
                    out_hbm.at[pl.ds(base + (j - 1) * CHUNK, CHUNK)],
                    wsem[pb],
                )
        for b in range(min(nbuf, n_chunks)):
            w[b].wait()

    return lookup


def kernel(tokens, W_E):
    b, s = tokens.shape
    _, d = W_E.shape
    flat = tokens.reshape(b * s)
    out = _make_lookup(b * s, d)(flat, W_E)
    return out.reshape(b, s, d)

# --- scband reference (transcript-rebuilt; emitter-appended) ---
"""Pipeline reference for scband-embedding-10720238371425 (READ-ONLY COPY).

The authoritative reference and input builder live on the scoring server;
editing this copy changes nothing except your own understanding.
"""

import jax, jax.numpy as jnp
import numpy as np

D_VOCAB = 100000
D_MODEL = 1024
INIT_STD = 0.02
BATCH = 4
SEQ = 4096


def setup_inputs(seed: int = 0) -> dict:
    key = jax.random.key(seed)
    k_tok, k_w = jax.random.split(key)
    tokens = jax.random.randint(k_tok, (BATCH, SEQ), 0, D_VOCAB, dtype=jnp.int64 if jax.config.jax_enable_x64 else jnp.int32)
    W_E = jax.random.normal(k_w, (D_VOCAB, D_MODEL), dtype=jnp.float32) * INIT_STD
    return {"tokens": tokens, "W_E": W_E}


def reference(tokens, W_E):
    # embeddings = self.W_E[tokens]  -> gather rows of the embedding table
    embeddings = jnp.take(W_E, tokens, axis=0)
    return embeddings

if __name__ == "__main__":
    import jax
    _d = setup_inputs()
    print(jax.jit(kernel)(*tuple(_d.values())))

</pallas_src>

<mosaic_0001>
#map = affine_map<(d0, d1) -> (0)>
#map1 = affine_map<(d0, d1) -> (0, 0)>
module attributes {stable_mosaic.version = 14 : i64} {
  func.func @lookup(%arg0: i32, %arg1: i32, %arg2: memref<16384xi32, #tpu.memory_space<hbm>>, %arg3: memref<100000x1024xf32, #tpu.memory_space<hbm>>, %arg4: memref<16384x1024xf32, #tpu.memory_space<hbm>>, %arg5: memref<512xi32, #tpu.memory_space<vmem>>, %arg6: memref<16x1024xf32, #tpu.memory_space<vmem>>, %arg7: memref<16x1024xf32, #tpu.memory_space<vmem>>, %arg8: memref<16x1024xf32, #tpu.memory_space<vmem>>, %arg9: memref<16x1024xf32, #tpu.memory_space<vmem>>, %arg10: memref<16x1024xf32, #tpu.memory_space<vmem>>, %arg11: memref<16x1024xf32, #tpu.memory_space<vmem>>, %arg12: memref<!tpu.dma_semaphore, #tpu.memory_space<semaphore_mem>>, %arg13: memref<!tpu.dma_semaphore, #tpu.memory_space<semaphore_mem>>, %arg14: memref<!tpu.dma_semaphore, #tpu.memory_space<semaphore_mem>>, %arg15: memref<!tpu.dma_semaphore, #tpu.memory_space<semaphore_mem>>, %arg16: memref<!tpu.dma_semaphore, #tpu.memory_space<semaphore_mem>>, %arg17: memref<!tpu.dma_semaphore, #tpu.memory_space<semaphore_mem>>, %arg18: memref<!tpu.dma_semaphore, #tpu.memory_space<semaphore_mem>>, %arg19: memref<!tpu.dma_semaphore, #tpu.memory_space<semaphore_mem>>, %arg20: memref<!tpu.dma_semaphore, #tpu.memory_space<semaphore_mem>>, %arg21: memref<!tpu.dma_semaphore, #tpu.memory_space<semaphore_mem>>, %arg22: memref<!tpu.dma_semaphore, #tpu.memory_space<semaphore_mem>>, %arg23: memref<!tpu.dma_semaphore, #tpu.memory_space<semaphore_mem>>) attributes {dimension_semantics = [#tpu.dimension_semantics<core_parallel>, #tpu.dimension_semantics<subcore_parallel>], iteration_bounds = array<i64: 2, 16>, scalar_prefetch = 0 : i64, scratch_operands = 19 : i64, tpu.core_type = #tpu.core_type<sc_vector_subcore>, window_params = [{transform_indices = #map}, {transform_indices = #map1}, {transform_indices = #map1}]} {
    %mul3A = arith.constant 2 : i32
    %mul3A_0 = arith.muli %arg1, %mul3A : i32
    %add3A = arith.addi %mul3A_0, %arg0 : i32
    %mul3A_1 = arith.constant 512 : i32
    %mul3A_2 = arith.muli %add3A, %mul3A_1 : i32
    "tpu.region"() ({
      %run_scoped3A = tpu.sem_alloc : memref<!tpu.dma_semaphore, #tpu.memory_space<semaphore_mem>>
      %dma_start3A_641 = tpu.memref_slice %arg2[%mul3A_2] : memref<16384xi32, #tpu.memory_space<hbm>> -> memref<512xi32, #tpu.memory_space<hbm>>
      %dma_start3A_642 = tpu.memref_slice %arg2[%mul3A_2] : memref<16384xi32, #tpu.memory_space<hbm>> -> memref<512xi32, #tpu.memory_space<hbm>>
      tpu.enqueue_dma source(%dma_start3A_642 : memref<512xi32, #tpu.memory_space<hbm>>) target(%arg5 : memref<512xi32, #tpu.memory_space<vmem>>) target_semaphore(%run_scoped3A : memref<!tpu.dma_semaphore, #tpu.memory_space<semaphore_mem>>)
      %dma_wait3A_643 = tpu.memref_slice %arg2[%mul3A_2] : memref<16384xi32, #tpu.memory_space<hbm>> -> memref<512xi32, #tpu.memory_space<hbm>>
      %dma_wait3A_644 = tpu.memref_slice %arg2[%mul3A_2] : memref<16384xi32, #tpu.memory_space<hbm>> -> memref<512xi32, #tpu.memory_space<hbm>>
      tpu.wait_dma2 semaphore(%run_scoped3A : memref<!tpu.dma_semaphore, #tpu.memory_space<semaphore_mem>>) src(%dma_wait3A_644 : memref<512xi32, #tpu.memory_space<hbm>>) dst(%arg5 : memref<512xi32, #tpu.memory_space<vmem>>)
      tpu.yield
    }) : () -> ()
    %dma_start3A = arith.constant 0 : i32
    %dma_start3A_3 = tpu.memref_slice %arg5[%dma_start3A] : memref<512xi32, #tpu.memory_space<vmem>> -> memref<16xi32, #tpu.memory_space<vmem>>
    %dma_start3A_4 = arith.constant 0 : i32
    %dma_start3A_5 = arith.constant 0 : i32
    %dma_start3A_6 = tpu.memref_slice %arg3[%dma_start3A_4, %dma_start3A_5] : memref<100000x1024xf32, #tpu.memory_space<hbm>> -> memref<100000x1024xf32, #tpu.memory_space<hbm>>
    tpu.enqueue_indirect_dma source(%dma_start3A_6 : memref<100000x1024xf32, #tpu.memory_space<hbm>>) target(%arg6 : memref<16x1024xf32, #tpu.memory_space<vmem>>) offsets(%dma_start3A_3 : memref<16xi32, #tpu.memory_space<vmem>>) semaphore(%arg12 : memref<!tpu.dma_semaphore, #tpu.memory_space<semaphore_mem>>)
    %dma_start3A_7 = arith.constant 16 : i32
    %dma_start3A_8 = tpu.memref_slice %arg5[%dma_start3A_7] : memref<512xi32, #tpu.memory_space<vmem>> -> memref<16xi32, #tpu.memory_space<vmem>>
    %dma_start3A_9 = arith.constant 0 : i32
    %dma_start3A_10 = arith.constant 0 : i32
    %dma_start3A_11 = tpu.memref_slice %arg3[%dma_start3A_9, %dma_start3A_10] : memref<100000x1024xf32, #tpu.memory_space<hbm>> -> memref<100000x1024xf32, #tpu.memory_space<hbm>>
    tpu.enqueue_indirect_dma source(%dma_start3A_11 : memref<100000x1024xf32, #tpu.memory_space<hbm>>) target(%arg7 : memref<16x1024xf32, #tpu.memory_space<vmem>>) offsets(%dma_start3A_8 : memref<16xi32, #tpu.memory_space<vmem>>) semaphore(%arg13 : memref<!tpu.dma_semaphore, #tpu.memory_space<semaphore_mem>>)
    %dma_wait3A = arith.constant 0 : i32
    %dma_wait3A_12 = tpu.memref_slice %arg5[%dma_wait3A] : memref<512xi32, #tpu.memory_space<vmem>> -> memref<16xi32, #tpu.memory_space<vmem>>
    %dma_wait3A_13 = arith.constant 0 : i32
    %dma_wait3A_14 = arith.constant 0 : i32
    %dma_wait3A_15 = tpu.memref_slice %arg3[%dma_wait3A_13, %dma_wait3A_14] : memref<100000x1024xf32, #tpu.memory_space<hbm>> -> memref<100000x1024xf32, #tpu.memory_space<hbm>>
    tpu.wait_indirect_dma semaphore(%arg12 : memref<!tpu.dma_semaphore, #tpu.memory_space<semaphore_mem>>) src(%dma_wait3A_15 : memref<100000x1024xf32, #tpu.memory_space<hbm>>) dst(%arg6 : memref<16x1024xf32, #tpu.memory_space<vmem>>)
    %add3A_16 = arith.constant 0 : i32
    %add3A_17 = arith.addi %mul3A_2, %add3A_16 : i32
    %dma_start3A_18 = arith.constant 0 : i32
    %dma_start3A_19 = tpu.memref_slice %arg4[%add3A_17, %dma_start3A_18] : memref<16384x1024xf32, #tpu.memory_space<hbm>> -> memref<16x1024xf32, #tpu.memory_space<hbm>>
    %dma_start3A_20 = arith.constant 0 : i32
    %dma_start3A_21 = tpu.memref_slice %arg4[%add3A_17, %dma_start3A_20] : memref<16384x1024xf32, #tpu.memory_space<hbm>> -> memref<16x1024xf32, #tpu.memory_space<hbm>>
    tpu.enqueue_dma source(%arg6 : memref<16x1024xf32, #tpu.memory_space<vmem>>) target(%dma_start3A_21 : memref<16x1024xf32, #tpu.memory_space<hbm>>) target_semaphore(%arg18 : memref<!tpu.dma_semaphore, #tpu.memory_space<semaphore_mem>>)
    %dma_start3A_22 = arith.constant 32 : i32
    %dma_start3A_23 = tpu.memref_slice %arg5[%dma_start3A_22] : memref<512xi32, #tpu.memory_space<vmem>> -> memref<16xi32, #tpu.memory_space<vmem>>
    %dma_start3A_24 = arith.constant 0 : i32
    %dma_start3A_25 = arith.constant 0 : i32
    %dma_start3A_26 = tpu.memref_slice %arg3[%dma_start3A_24, %dma_start3A_25] : memref<100000x1024xf32, #tpu.memory_space<hbm>> -> memref<100000x1024xf32, #tpu.memory_space<hbm>>
    tpu.enqueue_indirect_dma source(%dma_start3A_26 : memref<100000x1024xf32, #tpu.memory_space<hbm>>) target(%arg8 : memref<16x1024xf32, #tpu.memory_space<vmem>>) offsets(%dma_start3A_23 : memref<16xi32, #tpu.memory_space<vmem>>) semaphore(%arg14 : memref<!tpu.dma_semaphore, #tpu.memory_space<semaphore_mem>>)
    %dma_wait3A_27 = arith.constant 16 : i32
    %dma_wait3A_28 = tpu.memref_slice %arg5[%dma_wait3A_27] : memref<512xi32, #tpu.memory_space<vmem>> -> memref<16xi32, #tpu.memory_space<vmem>>
    %dma_wait3A_29 = arith.constant 0 : i32
    %dma_wait3A_30 = arith.constant 0 : i32
    %dma_wait3A_31 = tpu.memref_slice %arg3[%dma_wait3A_29, %dma_wait3A_30] : memref<100000x1024xf32, #tpu.memory_space<hbm>> -> memref<100000x1024xf32, #tpu.memory_space<hbm>>
    tpu.wait_indirect_dma semaphore(%arg13 : memref<!tpu.dma_semaphore, #tpu.memory_space<semaphore_mem>>) src(%dma_wait3A_31 : memref<100000x1024xf32, #tpu.memory_space<hbm>>) dst(%arg7 : memref<16x1024xf32, #tpu.memory_space<vmem>>)
    %add3A_32 = arith.constant 16 : i32
    %add3A_33 = arith.addi %mul3A_2, %add3A_32 : i32
    %dma_start3A_34 = arith.constant 0 : i32
    %dma_start3A_35 = tpu.memref_slice %arg4[%add3A_33, %dma_start3A_34] : memref<16384x1024xf32, #tpu.memory_space<hbm>> -> memref<16x1024xf32, #tpu.memory_space<hbm>>
    %dma_start3A_36 = arith.constant 0 : i32
    %dma_start3A_37 = tpu.memref_slice %arg4[%add3A_33, %dma_start3A_36] : memref<16384x1024xf32, #tpu.memory_space<hbm>> -> memref<16x1024xf32, #tpu.memory_space<hbm>>
    tpu.enqueue_dma source(%arg7 : memref<16x1024xf32, #tpu.memory_space<vmem>>) target(%dma_start3A_37 : memref<16x1024xf32, #tpu.memory_space<hbm>>) target_semaphore(%arg19 : memref<!tpu.dma_semaphore, #tpu.memory_space<semaphore_mem>>)
    %dma_start3A_38 = arith.constant 48 : i32
    %dma_start3A_39 = tpu.memref_slice %arg5[%dma_start3A_38] : memref<512xi32, #tpu.memory_space<vmem>> -> memref<16xi32, #tpu.memory_space<vmem>>
    %dma_start3A_40 = arith.constant 0 : i32
    %dma_start3A_41 = arith.constant 0 : i32
    %dma_start3A_42 = tpu.memref_slice %arg3[%dma_start3A_40, %dma_start3A_41] : memref<100000x1024xf32, #tpu.memory_space<hbm>> -> memref<100000x1024xf32, #tpu.memory_space<hbm>>
    tpu.enqueue_indirect_dma source(%dma_start3A_42 : memref<100000x1024xf32, #tpu.memory_space<hbm>>) target(%arg9 : memref<16x1024xf32, #tpu.memory_space<vmem>>) offsets(%dma_start3A_39 : memref<16xi32, #tpu.memory_space<vmem>>) semaphore(%arg15 : memref<!tpu.dma_semaphore, #tpu.memory_space<semaphore_mem>>)
    %dma_wait3A_43 = arith.constant 32 : i32
    %dma_wait3A_44 = tpu.memref_slice %arg5[%dma_wait3A_43] : memref<512xi32, #tpu.memory_space<vmem>> -> memref<16xi32, #tpu.memory_space<vmem>>
    %dma_wait3A_45 = arith.constant 0 : i32
    %dma_wait3A_46 = arith.constant 0 : i32
    %dma_wait3A_47 = tpu.memref_slice %arg3[%dma_wait3A_45, %dma_wait3A_46] : memref<100000x1024xf32, #tpu.memory_space<hbm>> -> memref<100000x1024xf32, #tpu.memory_space<hbm>>
    tpu.wait_indirect_dma semaphore(%arg14 : memref<!tpu.dma_semaphore, #tpu.memory_space<semaphore_mem>>) src(%dma_wait3A_47 : memref<100000x1024xf32, #tpu.memory_space<hbm>>) dst(%arg8 : memref<16x1024xf32, #tpu.memory_space<vmem>>)
    %add3A_48 = arith.constant 32 : i32
    %add3A_49 = arith.addi %mul3A_2, %add3A_48 : i32
    %dma_start3A_50 = arith.constant 0 : i32
    %dma_start3A_51 = tpu.memref_slice %arg4[%add3A_49, %dma_start3A_50] : memref<16384x1024xf32, #tpu.memory_space<hbm>> -> memref<16x1024xf32, #tpu.memory_space<hbm>>
    %dma_start3A_52 = arith.constant 0 : i32
    %dma_start3A_53 = tpu.memref_slice %arg4[%add3A_49, %dma_start3A_52] : memref<16384x1024xf32, #tpu.memory_space<hbm>> -> memref<16x1024xf32, #tpu.memory_space<hbm>>
    tpu.enqueue_dma source(%arg8 : memref<16x1024xf32, #tpu.memory_space<vmem>>) target(%dma_start3A_53 : memref<16x1024xf32, #tpu.memory_space<hbm>>) target_semaphore(%arg20 : memref<!tpu.dma_semaphore, #tpu.memory_space<semaphore_mem>>)
    %dma_start3A_54 = arith.constant 64 : i32
    %dma_start3A_55 = tpu.memref_slice %arg5[%dma_start3A_54] : memref<512xi32, #tpu.memory_space<vmem>> -> memref<16xi32, #tpu.memory_space<vmem>>
    %dma_start3A_56 = arith.constant 0 : i32
    %dma_start3A_57 = arith.constant 0 : i32
    %dma_start3A_58 = tpu.memref_slice %arg3[%dma_start3A_56, %dma_start3A_57] : memref<100000x1024xf32, #tpu.memory_space<hbm>> -> memref<100000x1024xf32, #tpu.memory_space<hbm>>
    tpu.enqueue_indirect_dma source(%dma_start3A_58 : memref<100000x1024xf32, #tpu.memory_space<hbm>>) target(%arg10 : memref<16x1024xf32, #tpu.memory_space<vmem>>) offsets(%dma_start3A_55 : memref<16xi32, #tpu.memory_space<vmem>>) semaphore(%arg16 : memref<!tpu.dma_semaphore, #tpu.memory_space<semaphore_mem>>)
    %dma_wait3A_59 = arith.constant 48 : i32
    %dma_wait3A_60 = tpu.memref_slice %arg5[%dma_wait3A_59] : memref<512xi32, #tpu.memory_space<vmem>> -> memref<16xi32, #tpu.memory_space<vmem>>
    %dma_wait3A_61 = arith.constant 0 : i32
    %dma_wait3A_62 = arith.constant 0 : i32
    %dma_wait3A_63 = tpu.memref_slice %arg3[%dma_wait3A_61, %dma_wait3A_62] : memref<100000x1024xf32, #tpu.memory_space<hbm>> -> memref<100000x1024xf32, #tpu.memory_space<hbm>>
    tpu.wait_indirect_dma semaphore(%arg15 : memref<!tpu.dma_semaphore, #tpu.memory_space<semaphore_mem>>) src(%dma_wait3A_63 : memref<100000x1024xf32, #tpu.memory_space<hbm>>) dst(%arg9 : memref<16x1024xf32, #tpu.memory_space<vmem>>)
    %add3A_64 = arith.constant 48 : i32
    %add3A_65 = arith.addi %mul3A_2, %add3A_64 : i32
    %dma_start3A_66 = arith.constant 0 : i32
    %dma_start3A_67 = tpu.memref_slice %arg4[%add3A_65, %dma_start3A_66] : memref<16384x1024xf32, #tpu.memory_space<hbm>> -> memref<16x1024xf32, #tpu.memory_space<hbm>>
    %dma_start3A_68 = arith.constant 0 : i32
    %dma_start3A_69 = tpu.memref_slice %arg4[%add3A_65, %dma_start3A_68] : memref<16384x1024xf32, #tpu.memory_space<hbm>> -> memref<16x1024xf32, #tpu.memory_space<hbm>>
    tpu.enqueue_dma source(%arg9 : memref<16x1024xf32, #tpu.memory_space<vmem>>) target(%dma_start3A_69 : memref<16x1024xf32, #tpu.memory_space<hbm>>) target_semaphore(%arg21 : memref<!tpu.dma_semaphore, #tpu.memory_space<semaphore_mem>>)
    %dma_start3A_70 = arith.constant 80 : i32
    %dma_start3A_71 = tpu.memref_slice %arg5[%dma_start3A_70] : memref<512xi32, #tpu.memory_space<vmem>> -> memref<16xi32, #tpu.memory_space<vmem>>
    %dma_start3A_72 = arith.constant 0 : i32
    %dma_start3A_73 = arith.constant 0 : i32
    %dma_start3A_74 = tpu.memref_slice %arg3[%dma_start3A_72, %dma_start3A_73] : memref<100000x1024xf32, #tpu.memory_space<hbm>> -> memref<100000x1024xf32, #tpu.memory_space<hbm>>
    tpu.enqueue_indirect_dma source(%dma_start3A_74 : memref<100000x1024xf32, #tpu.memory_space<hbm>>) target(%arg11 : memref<16x1024xf32, #tpu.memory_space<vmem>>) offsets(%dma_start3A_71 : memref<16xi32, #tpu.memory_space<vmem>>) semaphore(%arg17 : memref<!tpu.dma_semaphore, #tpu.memory_space<semaphore_mem>>)
    %dma_wait3A_75 = arith.constant 64 : i32
    %dma_wait3A_76 = tpu.memref_slice %arg5[%dma_wait3A_75] : memref<512xi32, #tpu.memory_space<vmem>> -> memref<16xi32, #tpu.memory_space<vmem>>
    %dma_wait3A_77 = arith.constant 0 : i32
    %dma_wait3A_78 = arith.constant 0 : i32
    %dma_wait3A_79 = tpu.memref_slice %arg3[%dma_wait3A_77, %dma_wait3A_78] : memref<100000x1024xf32, #tpu.memory_space<hbm>> -> memref<100000x1024xf32, #tpu.memory_space<hbm>>
    tpu.wait_indirect_dma semaphore(%arg16 : memref<!tpu.dma_semaphore, #tpu.memory_space<semaphore_mem>>) src(%dma_wait3A_79 : memref<100000x1024xf32, #tpu.memory_space<hbm>>) dst(%arg10 : memref<16x1024xf32, #tpu.memory_space<vmem>>)
    %add3A_80 = arith.constant 64 : i32
    %add3A_81 = arith.addi %mul3A_2, %add3A_80 : i32
    %dma_start3A_82 = arith.constant 0 : i32
    %dma_start3A_83 = tpu.memref_slice %arg4[%add3A_81, %dma_start3A_82] : memref<16384x1024xf32, #tpu.memory_space<hbm>> -> memref<16x1024xf32, #tpu.memory_space<hbm>>
    %dma_start3A_84 = arith.constant 0 : i32
    %dma_start3A_85 = tpu.memref_slice %arg4[%add3A_81, %dma_start3A_84] : memref<16384x1024xf32, #tpu.memory_space<hbm>> -> memref<16x1024xf32, #tpu.memory_space<hbm>>
    tpu.enqueue_dma source(%arg10 : memref<16x1024xf32, #tpu.memory_space<vmem>>) target(%dma_start3A_85 : memref<16x1024xf32, #tpu.memory_space<hbm>>) target_semaphore(%arg22 : memref<!tpu.dma_semaphore, #tpu.memory_space<semaphore_mem>>)
    %dma_wait3A_86 = arith.constant 0 : i32
    %dma_wait3A_87 = tpu.memref_slice %arg4[%add3A_17, %dma_wait3A_86] : memref<16384x1024xf32, #tpu.memory_space<hbm>> -> memref<16x1024xf32, #tpu.memory_space<hbm>>
    %dma_wait3A_88 = arith.constant 0 : i32
    %dma_wait3A_89 = tpu.memref_slice %arg4[%add3A_17, %dma_wait3A_88] : memref<16384x1024xf32, #tpu.memory_space<hbm>> -> memref<16x1024xf32, #tpu.memory_space<hbm>>
    tpu.wait_dma2 semaphore(%arg18 : memref<!tpu.dma_semaphore, #tpu.memory_space<semaphore_mem>>) src(%arg6 : memref<16x1024xf32, #tpu.memory_space<vmem>>) dst(%dma_wait3A_89 : memref<16x1024xf32, #tpu.memory_space<hbm>>)
    %dma_start3A_90 = arith.constant 96 : i32
    %dma_start3A_91 = tpu.memref_slice %arg5[%dma_start3A_90] : memref<512xi32, #tpu.memory_space<vmem>> -> memref<16xi32, #tpu.memory_space<vmem>>
    %dma_start3A_92 = arith.constant 0 : i32
    %dma_start3A_93 = arith.constant 0 : i32
    %dma_start3A_94 = tpu.memref_slice %arg3[%dma_start3A_92, %dma_start3A_93] : memref<100000x1024xf32, #tpu.memory_space<hbm>> -> memref<100000x1024xf32, #tpu.memory_space<hbm>>
    tpu.enqueue_indirect_dma source(%dma_start3A_94 : memref<100000x1024xf32, #tpu.memory_space<hbm>>) target(%arg6 : memref<16x1024xf32, #tpu.memory_space<vmem>>) offsets(%dma_start3A_91 : memref<16xi32, #tpu.memory_space<vmem>>) semaphore(%arg12 : memref<!tpu.dma_semaphore, #tpu.memory_space<semaphore_mem>>)
    %dma_wait3A_95 = arith.constant 80 : i32
    %dma_wait3A_96 = tpu.memref_slice %arg5[%dma_wait3A_95] : memref<512xi32, #tpu.memory_space<vmem>> -> memref<16xi32, #tpu.memory_space<vmem>>
    %dma_wait3A_97 = arith.constant 0 : i32
    %dma_wait3A_98 = arith.constant 0 : i32
    %dma_wait3A_99 = tpu.memref_slice %arg3[%dma_wait3A_97, %dma_wait3A_98] : memref<100000x1024xf32, #tpu.memory_space<hbm>> -> memref<100000x1024xf32, #tpu.memory_space<hbm>>
    tpu.wait_indirect_dma semaphore(%arg17 : memref<!tpu.dma_semaphore, #tpu.memory_space<semaphore_mem>>) src(%dma_wait3A_99 : memref<100000x1024xf32, #tpu.memory_space<hbm>>) dst(%arg11 : memref<16x1024xf32, #tpu.memory_space<vmem>>)
    %add3A_100 = arith.constant 80 : i32
    %add3A_101 = arith.addi %mul3A_2, %add3A_100 : i32
    %dma_start3A_102 = arith.constant 0 : i32
    %dma_start3A_103 = tpu.memref_slice %arg4[%add3A_101, %dma_start3A_102] : memref<16384x1024xf32, #tpu.memory_space<hbm>> -> memref<16x1024xf32, #tpu.memory_space<hbm>>
    %dma_start3A_104 = arith.constant 0 : i32
    %dma_start3A_105 = tpu.memref_slice %arg4[%add3A_101, %dma_start3A_104] : memref<16384x1024xf32, #tpu.memory_space<hbm>> -> memref<16x1024xf32, #tpu.memory_space<hbm>>
    tpu.enqueue_dma source(%arg11 : memref<16x1024xf32, #tpu.memory_space<vmem>>) target(%dma_start3A_105 : memref<16x1024xf32, #tpu.memory_space<hbm>>) target_semaphore(%arg23 : memref<!tpu.dma_semaphore, #tpu.memory_space<semaphore_mem>>)
    %dma_wait3A_106 = arith.constant 0 : i32
    %dma_wait3A_107 = tpu.memref_slice %arg4[%add3A_33, %dma_wait3A_106] : memref<16384x1024xf32, #tpu.memory_space<hbm>> -> memref<16x1024xf32, #tpu.memory_space<hbm>>
    %dma_wait3A_108 = arith.constant 0 : i32
    %dma_wait3A_109 = tpu.memref_slice %arg4[%add3A_33, %dma_wait3A_108] : memref<16384x1024xf32, #tpu.memory_space<hbm>> -> memref<16x1024xf32, #tpu.memory_space<hbm>>
    tpu.wait_dma2 semaphore(%arg19 : memref<!tpu.dma_semaphore, #tpu.memory_space<semaphore_mem>>) src(%arg7 : memref<16x1024xf32, #tpu.memory_space<vmem>>) dst(%dma_wait3A_109 : memref<16x1024xf32, #tpu.memory_space<hbm>>)
    %dma_start3A_110 = arith.constant 112 : i32
    %dma_start3A_111 = tpu.memref_slice %arg5[%dma_start3A_110] : memref<512xi32, #tpu.memory_space<vmem>> -> memref<16xi32, #tpu.memory_space<vmem>>
    %dma_start3A_112 = arith.constant 0 : i32
    %dma_start3A_113 = arith.constant 0 : i32
    %dma_start3A_114 = tpu.memref_slice %arg3[%dma_start3A_112, %dma_start3A_113] : memref<100000x1024xf32, #tpu.memory_space<hbm>> -> memref<100000x1024xf32, #tpu.memory_space<hbm>>
    tpu.enqueue_indirect_dma source(%dma_start3A_114 : memref<100000x1024xf32, #tpu.memory_space<hbm>>) target(%arg7 : memref<16x1024xf32, #tpu.memory_space<vmem>>) offsets(%dma_start3A_111 : memref<16xi32, #tpu.memory_space<vmem>>) semaphore(%arg13 : memref<!tpu.dma_semaphore, #tpu.memory_space<semaphore_mem>>)
    %dma_wait3A_115 = arith.constant 96 : i32
    %dma_wait3A_116 = tpu.memref_slice %arg5[%dma_wait3A_115] : memref<512xi32, #tpu.memory_space<vmem>> -> memref<16xi32, #tpu.memory_space<vmem>>
    %dma_wait3A_117 = arith.constant 0 : i32
    %dma_wait3A_118 = arith.constant 0 : i32
    %dma_wait3A_119 = tpu.memref_slice %arg3[%dma_wait3A_117, %dma_wait3A_118] : memref<100000x1024xf32, #tpu.memory_space<hbm>> -> memref<100000x1024xf32, #tpu.memory_space<hbm>>
    tpu.wait_indirect_dma semaphore(%arg12 : memref<!tpu.dma_semaphore, #tpu.memory_space<semaphore_mem>>) src(%dma_wait3A_119 : memref<100000x1024xf32, #tpu.memory_space<hbm>>) dst(%arg6 : memref<16x1024xf32, #tpu.memory_space<vmem>>)
    %add3A_120 = arith.constant 96 : i32
    %add3A_121 = arith.addi %mul3A_2, %add3A_120 : i32
    %dma_start3A_122 = arith.constant 0 : i32
    %dma_start3A_123 = tpu.memref_slice %arg4[%add3A_121, %dma_start3A_122] : memref<16384x1024xf32, #tpu.memory_space<hbm>> -> memref<16x1024xf32, #tpu.memory_space<hbm>>
    %dma_start3A_124 = arith.constant 0 : i32
    %dma_start3A_125 = tpu.memref_slice %arg4[%add3A_121, %dma_start3A_124] : memref<16384x1024xf32, #tpu.memory_space<hbm>> -> memref<16x1024xf32, #tpu.memory_space<hbm>>
    tpu.enqueue_dma source(%arg6 : memref<16x1024xf32, #tpu.memory_space<vmem>>) target(%dma_start3A_125 : memref<16x1024xf32, #tpu.memory_space<hbm>>) target_semaphore(%arg18 : memref<!tpu.dma_semaphore, #tpu.memory_space<semaphore_mem>>)
    %dma_wait3A_126 = arith.constant 0 : i32
    %dma_wait3A_127 = tpu.memref_slice %arg4[%add3A_49, %dma_wait3A_126] : memref<16384x1024xf32, #tpu.memory_space<hbm>> -> memref<16x1024xf32, #tpu.memory_space<hbm>>
    %dma_wait3A_128 = arith.constant 0 : i32
    %dma_wait3A_129 = tpu.memref_slice %arg4[%add3A_49, %dma_wait3A_128] : memref<16384x1024xf32, #tpu.memory_space<hbm>> -> memref<16x1024xf32, #tpu.memory_space<hbm>>
    tpu.wait_dma2 semaphore(%arg20 : memref<!tpu.dma_semaphore, #tpu.memory_space<semaphore_mem>>) src(%arg8 : memref<16x1024xf32, #tpu.memory_space<vmem>>) dst(%dma_wait3A_129 : memref<16x1024xf32, #tpu.memory_space<hbm>>)
    %dma_start3A_130 = arith.constant 128 : i32
    %dma_start3A_131 = tpu.memref_slice %arg5[%dma_start3A_130] : memref<512xi32, #tpu.memory_space<vmem>> -> memref<16xi32, #tpu.memory_space<vmem>>
    %dma_start3A_132 = arith.constant 0 : i32
    %dma_start3A_133 = arith.constant 0 : i32
    %dma_start3A_134 = tpu.memref_slice %arg3[%dma_start3A_132, %dma_start3A_133] : memref<100000x1024xf32, #tpu.memory_space<hbm>> -> memref<100000x1024xf32, #tpu.memory_space<hbm>>
    tpu.enqueue_indirect_dma source(%dma_start3A_134 : memref<100000x1024xf32, #tpu.memory_space<hbm>>) target(%arg8 : memref<16x1024xf32, #tpu.memory_space<vmem>>) offsets(%dma_start3A_131 : memref<16xi32, #tpu.memory_space<vmem>>) semaphore(%arg14 : memref<!tpu.dma_semaphore, #tpu.memory_space<semaphore_mem>>)
    %dma_wait3A_135 = arith.constant 112 : i32
    %dma_wait3A_136 = tpu.memref_slice %arg5[%dma_wait3A_135] : memref<512xi32, #tpu.memory_space<vmem>> -> memref<16xi32, #tpu.memory_space<vmem>>
    %dma_wait3A_137 = arith.constant 0 : i32
    %dma_wait3A_138 = arith.constant 0 : i32
    %dma_wait3A_139 = tpu.memref_slice %arg3[%dma_wait3A_137, %dma_wait3A_138] : memref<100000x1024xf32, #tpu.memory_space<hbm>> -> memref<100000x1024xf32, #tpu.memory_space<hbm>>
    tpu.wait_indirect_dma semaphore(%arg13 : memref<!tpu.dma_semaphore, #tpu.memory_space<semaphore_mem>>) src(%dma_wait3A_139 : memref<100000x1024xf32, #tpu.memory_space<hbm>>) dst(%arg7 : memref<16x1024xf32, #tpu.memory_space<vmem>>)
    %add3A_140 = arith.constant 112 : i32
    %add3A_141 = arith.addi %mul3A_2, %add3A_140 : i32
    %dma_start3A_142 = arith.constant 0 : i32
    %dma_start3A_143 = tpu.memref_slice %arg4[%add3A_141, %dma_start3A_142] : memref<16384x1024xf32, #tpu.memory_space<hbm>> -> memref<16x1024xf32, #tpu.memory_space<hbm>>
    %dma_start3A_144 = arith.constant 0 : i32
    %dma_start3A_145 = tpu.memref_slice %arg4[%add3A_141, %dma_start3A_144] : memref<16384x1024xf32, #tpu.memory_space<hbm>> -> memref<16x1024xf32, #tpu.memory_space<hbm>>
    tpu.enqueue_dma source(%arg7 : memref<16x1024xf32, #tpu.memory_space<vmem>>) target(%dma_start3A_145 : memref<16x1024xf32, #tpu.memory_space<hbm>>) target_semaphore(%arg19 : memref<!tpu.dma_semaphore, #tpu.memory_space<semaphore_mem>>)
    %dma_wait3A_146 = arith.constant 0 : i32
    %dma_wait3A_147 = tpu.memref_slice %arg4[%add3A_65, %dma_wait3A_146] : memref<16384x1024xf32, #tpu.memory_space<hbm>> -> memref<16x1024xf32, #tpu.memory_space<hbm>>
    %dma_wait3A_148 = arith.constant 0 : i32
    %dma_wait3A_149 = tpu.memref_slice %arg4[%add3A_65, %dma_wait3A_148] : memref<16384x1024xf32, #tpu.memory_space<hbm>> -> memref<16x1024xf32, #tpu.memory_space<hbm>>
    tpu.wait_dma2 semaphore(%arg21 : memref<!tpu.dma_semaphore, #tpu.memory_space<semaphore_mem>>) src(%arg9 : memref<16x1024xf32, #tpu.memory_space<vmem>>) dst(%dma_wait3A_149 : memref<16x1024xf32, #tpu.memory_space<hbm>>)
    %dma_start3A_150 = arith.constant 144 : i32
    %dma_start3A_151 = tpu.memref_slice %arg5[%dma_start3A_150] : memref<512xi32, #tpu.memory_space<vmem>> -> memref<16xi32, #tpu.memory_space<vmem>>
    %dma_start3A_152 = arith.constant 0 : i32
    %dma_start3A_153 = arith.constant 0 : i32
    %dma_start3A_154 = tpu.memref_slice %arg3[%dma_start3A_152, %dma_start3A_153] : memref<100000x1024xf32, #tpu.memory_space<hbm>> -> memref<100000x1024xf32, #tpu.memory_space<hbm>>
    tpu.enqueue_indirect_dma source(%dma_start3A_154 : memref<100000x1024xf32, #tpu.memory_space<hbm>>) target(%arg9 : memref<16x1024xf32, #tpu.memory_space<vmem>>) offsets(%dma_start3A_151 : memref<16xi32, #tpu.memory_space<vmem>>) semaphore(%arg15 : memref<!tpu.dma_semaphore, #tpu.memory_space<semaphore_mem>>)
    %dma_wait3A_155 = arith.constant 128 : i32
    %dma_wait3A_156 = tpu.memref_slice %arg5[%dma_wait3A_155] : memref<512xi32, #tpu.memory_space<vmem>> -> memref<16xi32, #tpu.memory_space<vmem>>
    %dma_wait3A_157 = arith.constant 0 : i32
    %dma_wait3A_158 = arith.constant 0 : i32
    %dma_wait3A_159 = tpu.memref_slice %arg3[%dma_wait3A_157, %dma_wait3A_158] : memref<100000x1024xf32, #tpu.memory_space<hbm>> -> memref<100000x1024xf32, #tpu.memory_space<hbm>>
    tpu.wait_indirect_dma semaphore(%arg14 : memref<!tpu.dma_semaphore, #tpu.memory_space<semaphore_mem>>) src(%dma_wait3A_159 : memref<100000x1024xf32, #tpu.memory_space<hbm>>) dst(%arg8 : memref<16x1024xf32, #tpu.memory_space<vmem>>)
    %add3A_160 = arith.constant 128 : i32
    %add3A_161 = arith.addi %mul3A_2, %add3A_160 : i32
    %dma_start3A_162 = arith.constant 0 : i32
    %dma_start3A_163 = tpu.memref_slice %arg4[%add3A_161, %dma_start3A_162] : memref<16384x1024xf32, #tpu.memory_space<hbm>> -> memref<16x1024xf32, #tpu.memory_space<hbm>>
    %dma_start3A_164 = arith.constant 0 : i32
    %dma_start3A_165 = tpu.memref_slice %arg4[%add3A_161, %dma_start3A_164] : memref<16384x1024xf32, #tpu.memory_space<hbm>> -> memref<16x1024xf32, #tpu.memory_space<hbm>>
    tpu.enqueue_dma source(%arg8 : memref<16x1024xf32, #tpu.memory_space<vmem>>) target(%dma_start3A_165 : memref<16x1024xf32, #tpu.memory_space<hbm>>) target_semaphore(%arg20 : memref<!tpu.dma_semaphore, #tpu.memory_space<semaphore_mem>>)
    %dma_wait3A_166 = arith.constant 0 : i32
    %dma_wait3A_167 = tpu.memref_slice %arg4[%add3A_81, %dma_wait3A_166] : memref<16384x1024xf32, #tpu.memory_space<hbm>> -> memref<16x1024xf32, #tpu.memory_space<hbm>>
    %dma_wait3A_168 = arith.constant 0 : i32
    %dma_wait3A_169 = tpu.memref_slice %arg4[%add3A_81, %dma_wait3A_168] : memref<16384x1024xf32, #tpu.memory_space<hbm>> -> memref<16x1024xf32, #tpu.memory_space<hbm>>
    tpu.wait_dma2 semaphore(%arg22 : memref<!tpu.dma_semaphore, #tpu.memory_space<semaphore_mem>>) src(%arg10 : memref<16x1024xf32, #tpu.memory_space<vmem>>) dst(%dma_wait3A_169 : memref<16x1024xf32, #tpu.memory_space<hbm>>)
    %dma_start3A_170 = arith.constant 160 : i32
    %dma_start3A_171 = tpu.memref_slice %arg5[%dma_start3A_170] : memref<512xi32, #tpu.memory_space<vmem>> -> memref<16xi32, #tpu.memory_space<vmem>>
    %dma_start3A_172 = arith.constant 0 : i32
    %dma_start3A_173 = arith.constant 0 : i32
    %dma_start3A_174 = tpu.memref_slice %arg3[%dma_start3A_172, %dma_start3A_173] : memref<100000x1024xf32, #tpu.memory_space<hbm>> -> memref<100000x1024xf32, #tpu.memory_space<hbm>>
    tpu.enqueue_indirect_dma source(%dma_start3A_174 : memref<100000x1024xf32, #tpu.memory_space<hbm>>) target(%arg10 : memref<16x1024xf32, #tpu.memory_space<vmem>>) offsets(%dma_start3A_171 : memref<16xi32, #tpu.memory_space<vmem>>) semaphore(%arg16 : memref<!tpu.dma_semaphore, #tpu.memory_space<semaphore_mem>>)
    %dma_wait3A_175 = arith.constant 144 : i32
    %dma_wait3A_176 = tpu.memref_slice %arg5[%dma_wait3A_175] : memref<512xi32, #tpu.memory_space<vmem>> -> memref<16xi32, #tpu.memory_space<vmem>>
    %dma_wait3A_177 = arith.constant 0 : i32
    %dma_wait3A_178 = arith.constant 0 : i32
    %dma_wait3A_179 = tpu.memref_slice %arg3[%dma_wait3A_177, %dma_wait3A_178] : memref<100000x1024xf32, #tpu.memory_space<hbm>> -> memref<100000x1024xf32, #tpu.memory_space<hbm>>
    tpu.wait_indirect_dma semaphore(%arg15 : memref<!tpu.dma_semaphore, #tpu.memory_space<semaphore_mem>>) src(%dma_wait3A_179 : memref<100000x1024xf32, #tpu.memory_space<hbm>>) dst(%arg9 : memref<16x1024xf32, #tpu.memory_space<vmem>>)
    %add3A_180 = arith.constant 144 : i32
    %add3A_181 = arith.addi %mul3A_2, %add3A_180 : i32
    %dma_start3A_182 = arith.constant 0 : i32
    %dma_start3A_183 = tpu.memref_slice %arg4[%add3A_181, %dma_start3A_182] : memref<16384x1024xf32, #tpu.memory_space<hbm>> -> memref<16x1024xf32, #tpu.memory_space<hbm>>
    %dma_start3A_184 = arith.constant 0 : i32
    %dma_start3A_185 = tpu.memref_slice %arg4[%add3A_181, %dma_start3A_184] : memref<16384x1024xf32, #tpu.memory_space<hbm>> -> memref<16x1024xf32, #tpu.memory_space<hbm>>
    tpu.enqueue_dma source(%arg9 : memref<16x1024xf32, #tpu.memory_space<vmem>>) target(%dma_start3A_185 : memref<16x1024xf32, #tpu.memory_space<hbm>>) target_semaphore(%arg21 : memref<!tpu.dma_semaphore, #tpu.memory_space<semaphore_mem>>)
    %dma_wait3A_186 = arith.constant 0 : i32
    %dma_wait3A_187 = tpu.memref_slice %arg4[%add3A_101, %dma_wait3A_186] : memref<16384x1024xf32, #tpu.memory_space<hbm>> -> memref<16x1024xf32, #tpu.memory_space<hbm>>
    %dma_wait3A_188 = arith.constant 0 : i32
    %dma_wait3A_189 = tpu.memref_slice %arg4[%add3A_101, %dma_wait3A_188] : memref<16384x1024xf32, #tpu.memory_space<hbm>> -> memref<16x1024xf32, #tpu.memory_space<hbm>>
    tpu.wait_dma2 semaphore(%arg23 : memref<!tpu.dma_semaphore, #tpu.memory_space<semaphore_mem>>) src(%arg11 : memref<16x1024xf32, #tpu.memory_space<vmem>>) dst(%dma_wait3A_189 : memref<16x1024xf32, #tpu.memory_space<hbm>>)
    %dma_start3A_190 = arith.constant 176 : i32
    %dma_start3A_191 = tpu.memref_slice %arg5[%dma_start3A_190] : memref<512xi32, #tpu.memory_space<vmem>> -> memref<16xi32, #tpu.memory_space<vmem>>
    %dma_start3A_192 = arith.constant 0 : i32
    %dma_start3A_193 = arith.constant 0 : i32
    %dma_start3A_194 = tpu.memref_slice %arg3[%dma_start3A_192, %dma_start3A_193] : memref<100000x1024xf32, #tpu.memory_space<hbm>> -> memref<100000x1024xf32, #tpu.memory_space<hbm>>
    tpu.enqueue_indirect_dma source(%dma_start3A_194 : memref<100000x1024xf32, #tpu.memory_space<hbm>>) target(%arg11 : memref<16x1024xf32, #tpu.memory_space<vmem>>) offsets(%dma_start3A_191 : memref<16xi32, #tpu.memory_space<vmem>>) semaphore(%arg17 : memref<!tpu.dma_semaphore, #tpu.memory_space<semaphore_mem>>)
    %dma_wait3A_195 = arith.constant 160 : i32
    %dma_wait3A_196 = tpu.memref_slice %arg5[%dma_wait3A_195] : memref<512xi32, #tpu.memory_space<vmem>> -> memref<16xi32, #tpu.memory_space<vmem>>
    %dma_wait3A_197 = arith.constant 0 : i32
    %dma_wait3A_198 = arith.constant 0 : i32
    %dma_wait3A_199 = tpu.memref_slice %arg3[%dma_wait3A_197, %dma_wait3A_198] : memref<100000x1024xf32, #tpu.memory_space<hbm>> -> memref<100000x1024xf32, #tpu.memory_space<hbm>>
    tpu.wait_indirect_dma semaphore(%arg16 : memref<!tpu.dma_semaphore, #tpu.memory_space<semaphore_mem>>) src(%dma_wait3A_199 : memref<100000x1024xf32, #tpu.memory_space<hbm>>) dst(%arg10 : memref<16x1024xf32, #tpu.memory_space<vmem>>)
    %add3A_200 = arith.constant 160 : i32
    %add3A_201 = arith.addi %mul3A_2, %add3A_200 : i32
    %dma_start3A_202 = arith.constant 0 : i32
    %dma_start3A_203 = tpu.memref_slice %arg4[%add3A_201, %dma_start3A_202] : memref<16384x1024xf32, #tpu.memory_space<hbm>> -> memref<16x1024xf32, #tpu.memory_space<hbm>>
    %dma_start3A_204 = arith.constant 0 : i32
    %dma_start3A_205 = tpu.memref_slice %arg4[%add3A_201, %dma_start3A_204] : memref<16384x1024xf32, #tpu.memory_space<hbm>> -> memref<16x1024xf32, #tpu.memory_space<hbm>>
    tpu.enqueue_dma source(%arg10 : memref<16x1024xf32, #tpu.memory_space<vmem>>) target(%dma_start3A_205 : memref<16x1024xf32, #tpu.memory_space<hbm>>) target_semaphore(%arg22 : memref<!tpu.dma_semaphore, #tpu.memory_space<semaphore_mem>>)
    %dma_wait3A_206 = arith.constant 0 : i32
    %dma_wait3A_207 = tpu.memref_slice %arg4[%add3A_121, %dma_wait3A_206] : memref<16384x1024xf32, #tpu.memory_space<hbm>> -> memref<16x1024xf32, #tpu.memory_space<hbm>>
    %dma_wait3A_208 = arith.constant 0 : i32
    %dma_wait3A_209 = tpu.memref_slice %arg4[%add3A_121, %dma_wait3A_208] : memref<16384x1024xf32, #tpu.memory_space<hbm>> -> memref<16x1024xf32, #tpu.memory_space<hbm>>
    tpu.wait_dma2 semaphore(%arg18 : memref<!tpu.dma_semaphore, #tpu.memory_space<semaphore_mem>>) src(%arg6 : memref<16x1024xf32, #tpu.memory_space<vmem>>) dst(%dma_wait3A_209 : memref<16x1024xf32, #tpu.memory_space<hbm>>)
    %dma_start3A_210 = arith.constant 192 : i32
    %dma_start3A_211 = tpu.memref_slice %arg5[%dma_start3A_210] : memref<512xi32, #tpu.memory_space<vmem>> -> memref<16xi32, #tpu.memory_space<vmem>>
    %dma_start3A_212 = arith.constant 0 : i32
    %dma_start3A_213 = arith.constant 0 : i32
    %dma_start3A_214 = tpu.memref_slice %arg3[%dma_start3A_212, %dma_start3A_213] : memref<100000x1024xf32, #tpu.memory_space<hbm>> -> memref<100000x1024xf32, #tpu.memory_space<hbm>>
    tpu.enqueue_indirect_dma source(%dma_start3A_214 : memref<100000x1024xf32, #tpu.memory_space<hbm>>) target(%arg6 : memref<16x1024xf32, #tpu.memory_space<vmem>>) offsets(%dma_start3A_211 : memref<16xi32, #tpu.memory_space<vmem>>) semaphore(%arg12 : memref<!tpu.dma_semaphore, #tpu.memory_space<semaphore_mem>>)
    %dma_wait3A_215 = arith.constant 176 : i32
    %dma_wait3A_216 = tpu.memref_slice %arg5[%dma_wait3A_215] : memref<512xi32, #tpu.memory_space<vmem>> -> memref<16xi32, #tpu.memory_space<vmem>>
    %dma_wait3A_217 = arith.constant 0 : i32
    %dma_wait3A_218 = arith.constant 0 : i32
    %dma_wait3A_219 = tpu.memref_slice %arg3[%dma_wait3A_217, %dma_wait3A_218] : memref<100000x1024xf32, #tpu.memory_space<hbm>> -> memref<100000x1024xf32, #tpu.memory_space<hbm>>
    tpu.wait_indirect_dma semaphore(%arg17 : memref<!tpu.dma_semaphore, #tpu.memory_space<semaphore_mem>>) src(%dma_wait3A_219 : memref<100000x1024xf32, #tpu.memory_space<hbm>>) dst(%arg11 : memref<16x1024xf32, #tpu.memory_space<vmem>>)
    %add3A_220 = arith.constant 176 : i32
    %add3A_221 = arith.addi %mul3A_2, %add3A_220 : i32
    %dma_start3A_222 = arith.constant 0 : i32
    %dma_start3A_223 = tpu.memref_slice %arg4[%add3A_221, %dma_start3A_222] : memref<16384x1024xf32, #tpu.memory_space<hbm>> -> memref<16x1024xf32, #tpu.memory_space<hbm>>
    %dma_start3A_224 = arith.constant 0 : i32
    %dma_start3A_225 = tpu.memref_slice %arg4[%add3A_221, %dma_start3A_224] : memref<16384x1024xf32, #tpu.memory_space<hbm>> -> memref<16x1024xf32, #tpu.memory_space<hbm>>
    tpu.enqueue_dma source(%arg11 : memref<16x1024xf32, #tpu.memory_space<vmem>>) target(%dma_start3A_225 : memref<16x1024xf32, #tpu.memory_space<hbm>>) target_semaphore(%arg23 : memref<!tpu.dma_semaphore, #tpu.memory_space<semaphore_mem>>)
    %dma_wait3A_226 = arith.constant 0 : i32
    %dma_wait3A_227 = tpu.memref_slice %arg4[%add3A_141, %dma_wait3A_226] : memref<16384x1024xf32, #tpu.memory_space<hbm>> -> memref<16x1024xf32, #tpu.memory_space<hbm>>
    %dma_wait3A_228 = arith.constant 0 : i32
    %dma_wait3A_229 = tpu.memref_slice %arg4[%add3A_141, %dma_wait3A_228] : memref<16384x1024xf32, #tpu.memory_space<hbm>> -> memref<16x1024xf32, #tpu.memory_space<hbm>>
    tpu.wait_dma2 semaphore(%arg19 : memref<!tpu.dma_semaphore, #tpu.memory_space<semaphore_mem>>) src(%arg7 : memref<16x1024xf32, #tpu.memory_space<vmem>>) dst(%dma_wait3A_229 : memref<16x1024xf32, #tpu.memory_space<hbm>>)
    %dma_start3A_230 = arith.constant 208 : i32
    %dma_start3A_231 = tpu.memref_slice %arg5[%dma_start3A_230] : memref<512xi32, #tpu.memory_space<vmem>> -> memref<16xi32, #tpu.memory_space<vmem>>
    %dma_start3A_232 = arith.constant 0 : i32
    %dma_start3A_233 = arith.constant 0 : i32
    %dma_start3A_234 = tpu.memref_slice %arg3[%dma_start3A_232, %dma_start3A_233] : memref<100000x1024xf32, #tpu.memory_space<hbm>> -> memref<100000x1024xf32, #tpu.memory_space<hbm>>
    tpu.enqueue_indirect_dma source(%dma_start3A_234 : memref<100000x1024xf32, #tpu.memory_space<hbm>>) target(%arg7 : memref<16x1024xf32, #tpu.memory_space<vmem>>) offsets(%dma_start3A_231 : memref<16xi32, #tpu.memory_space<vmem>>) semaphore(%arg13 : memref<!tpu.dma_semaphore, #tpu.memory_space<semaphore_mem>>)
    %dma_wait3A_235 = arith.constant 192 : i32
    %dma_wait3A_236 = tpu.memref_slice %arg5[%dma_wait3A_235] : memref<512xi32, #tpu.memory_space<vmem>> -> memref<16xi32, #tpu.memory_space<vmem>>
    %dma_wait3A_237 = arith.constant 0 : i32
    %dma_wait3A_238 = arith.constant 0 : i32
    %dma_wait3A_239 = tpu.memref_slice %arg3[%dma_wait3A_237, %dma_wait3A_238] : memref<100000x1024xf32, #tpu.memory_space<hbm>> -> memref<100000x1024xf32, #tpu.memory_space<hbm>>
    tpu.wait_indirect_dma semaphore(%arg12 : memref<!tpu.dma_semaphore, #tpu.memory_space<semaphore_mem>>) src(%dma_wait3A_239 : memref<100000x1024xf32, #tpu.memory_space<hbm>>) dst(%arg6 : memref<16x1024xf32, #tpu.memory_space<vmem>>)
    %add3A_240 = arith.constant 192 : i32
    %add3A_241 = arith.addi %mul3A_2, %add3A_240 : i32
    %dma_start3A_242 = arith.constant 0 : i32
    %dma_start3A_243 = tpu.memref_slice %arg4[%add3A_241, %dma_start3A_242] : memref<16384x1024xf32, #tpu.memory_space<hbm>> -> memref<16x1024xf32, #tpu.memory_space<hbm>>
    %dma_start3A_244 = arith.constant 0 : i32
    %dma_start3A_245 = tpu.memref_slice %arg4[%add3A_241, %dma_start3A_244] : memref<16384x1024xf32, #tpu.memory_space<hbm>> -> memref<16x1024xf32, #tpu.memory_space<hbm>>
    tpu.enqueue_dma source(%arg6 : memref<16x1024xf32, #tpu.memory_space<vmem>>) target(%dma_start3A_245 : memref<16x1024xf32, #tpu.memory_space<hbm>>) target_semaphore(%arg18 : memref<!tpu.dma_semaphore, #tpu.memory_space<semaphore_mem>>)
    %dma_wait3A_246 = arith.constant 0 : i32
    %dma_wait3A_247 = tpu.memref_slice %arg4[%add3A_161, %dma_wait3A_246] : memref<16384x1024xf32, #tpu.memory_space<hbm>> -> memref<16x1024xf32, #tpu.memory_space<hbm>>
    %dma_wait3A_248 = arith.constant 0 : i32
    %dma_wait3A_249 = tpu.memref_slice %arg4[%add3A_161, %dma_wait3A_248] : memref<16384x1024xf32, #tpu.memory_space<hbm>> -> memref<16x1024xf32, #tpu.memory_space<hbm>>
    tpu.wait_dma2 semaphore(%arg20 : memref<!tpu.dma_semaphore, #tpu.memory_space<semaphore_mem>>) src(%arg8 : memref<16x1024xf32, #tpu.memory_space<vmem>>) dst(%dma_wait3A_249 : memref<16x1024xf32, #tpu.memory_space<hbm>>)
    %dma_start3A_250 = arith.constant 224 : i32
    %dma_start3A_251 = tpu.memref_slice %arg5[%dma_start3A_250] : memref<512xi32, #tpu.memory_space<vmem>> -> memref<16xi32, #tpu.memory_space<vmem>>
    %dma_start3A_252 = arith.constant 0 : i32
    %dma_start3A_253 = arith.constant 0 : i32
    %dma_start3A_254 = tpu.memref_slice %arg3[%dma_start3A_252, %dma_start3A_253] : memref<100000x1024xf32, #tpu.memory_space<hbm>> -> memref<100000x1024xf32, #tpu.memory_space<hbm>>
    tpu.enqueue_indirect_dma source(%dma_start3A_254 : memref<100000x1024xf32, #tpu.memory_space<hbm>>) target(%arg8 : memref<16x1024xf32, #tpu.memory_space<vmem>>) offsets(%dma_start3A_251 : memref<16xi32, #tpu.memory_space<vmem>>) semaphore(%arg14 : memref<!tpu.dma_semaphore, #tpu.memory_space<semaphore_mem>>)
    %dma_wait3A_255 = arith.constant 208 : i32
    %dma_wait3A_256 = tpu.memref_slice %arg5[%dma_wait3A_255] : memref<512xi32, #tpu.memory_space<vmem>> -> memref<16xi32, #tpu.memory_space<vmem>>
    %dma_wait3A_257 = arith.constant 0 : i32
    %dma_wait3A_258 = arith.constant 0 : i32
    %dma_wait3A_259 = tpu.memref_slice %arg3[%dma_wait3A_257, %dma_wait3A_258] : memref<100000x1024xf32, #tpu.memory_space<hbm>> -> memref<100000x1024xf32, #tpu.memory_space<hbm>>
    tpu.wait_indirect_dma semaphore(%arg13 : memref<!tpu.dma_semaphore, #tpu.memory_space<semaphore_mem>>) src(%dma_wait3A_259 : memref<100000x1024xf32, #tpu.memory_space<hbm>>) dst(%arg7 : memref<16x1024xf32, #tpu.memory_space<vmem>>)
    %add3A_260 = arith.constant 208 : i32
    %add3A_261 = arith.addi %mul3A_2, %add3A_260 : i32
    %dma_start3A_262 = arith.constant 0 : i32
    %dma_start3A_263 = tpu.memref_slice %arg4[%add3A_261, %dma_start3A_262] : memref<16384x1024xf32, #tpu.memory_space<hbm>> -> memref<16x1024xf32, #tpu.memory_space<hbm>>
    %dma_start3A_264 = arith.constant 0 : i32
    %dma_start3A_265 = tpu.memref_slice %arg4[%add3A_261, %dma_start3A_264] : memref<16384x1024xf32, #tpu.memory_space<hbm>> -> memref<16x1024xf32, #tpu.memory_space<hbm>>
    tpu.enqueue_dma source(%arg7 : memref<16x1024xf32, #tpu.memory_space<vmem>>) target(%dma_start3A_265 : memref<16x1024xf32, #tpu.memory_space<hbm>>) target_semaphore(%arg19 : memref<!tpu.dma_semaphore, #tpu.memory_space<semaphore_mem>>)
    %dma_wait3A_266 = arith.constant 0 : i32
    %dma_wait3A_267 = tpu.memref_slice %arg4[%add3A_181, %dma_wait3A_266] : memref<16384x1024xf32, #tpu.memory_space<hbm>> -> memref<16x1024xf32, #tpu.memory_space<hbm>>
    %dma_wait3A_268 = arith.constant 0 : i32
    %dma_wait3A_269 = tpu.memref_slice %arg4[%add3A_181, %dma_wait3A_268] : memref<16384x1024xf32, #tpu.memory_space<hbm>> -> memref<16x1024xf32, #tpu.memory_space<hbm>>
    tpu.wait_dma2 semaphore(%arg21 : memref<!tpu.dma_semaphore, #tpu.memory_space<semaphore_mem>>) src(%arg9 : memref<16x1024xf32, #tpu.memory_space<vmem>>) dst(%dma_wait3A_269 : memref<16x1024xf32, #tpu.memory_space<hbm>>)
    %dma_start3A_270 = arith.constant 240 : i32
    %dma_start3A_271 = tpu.memref_slice %arg5[%dma_start3A_270] : memref<512xi32, #tpu.memory_space<vmem>> -> memref<16xi32, #tpu.memory_space<vmem>>
    %dma_start3A_272 = arith.constant 0 : i32
    %dma_start3A_273 = arith.constant 0 : i32
    %dma_start3A_274 = tpu.memref_slice %arg3[%dma_start3A_272, %dma_start3A_273] : memref<100000x1024xf32, #tpu.memory_space<hbm>> -> memref<100000x1024xf32, #tpu.memory_space<hbm>>
    tpu.enqueue_indirect_dma source(%dma_start3A_274 : memref<100000x1024xf32, #tpu.memory_space<hbm>>) target(%arg9 : memref<16x1024xf32, #tpu.memory_space<vmem>>) offsets(%dma_start3A_271 : memref<16xi32, #tpu.memory_space<vmem>>) semaphore(%arg15 : memref<!tpu.dma_semaphore, #tpu.memory_space<semaphore_mem>>)
    %dma_wait3A_275 = arith.constant 224 : i32
    %dma_wait3A_276 = tpu.memref_slice %arg5[%dma_wait3A_275] : memref<512xi32, #tpu.memory_space<vmem>> -> memref<16xi32, #tpu.memory_space<vmem>>
    %dma_wait3A_277 = arith.constant 0 : i32
    %dma_wait3A_278 = arith.constant 0 : i32
    %dma_wait3A_279 = tpu.memref_slice %arg3[%dma_wait3A_277, %dma_wait3A_278] : memref<100000x1024xf32, #tpu.memory_space<hbm>> -> memref<100000x1024xf32, #tpu.memory_space<hbm>>
    tpu.wait_indirect_dma semaphore(%arg14 : memref<!tpu.dma_semaphore, #tpu.memory_space<semaphore_mem>>) src(%dma_wait3A_279 : memref<100000x1024xf32, #tpu.memory_space<hbm>>) dst(%arg8 : memref<16x1024xf32, #tpu.memory_space<vmem>>)
    %add3A_280 = arith.constant 224 : i32
    %add3A_281 = arith.addi %mul3A_2, %add3A_280 : i32
    %dma_start3A_282 = arith.constant 0 : i32
    %dma_start3A_283 = tpu.memref_slice %arg4[%add3A_281, %dma_start3A_282] : memref<16384x1024xf32, #tpu.memory_space<hbm>> -> memref<16x1024xf32, #tpu.memory_space<hbm>>
    %dma_start3A_284 = arith.constant 0 : i32
    %dma_start3A_285 = tpu.memref_slice %arg4[%add3A_281, %dma_start3A_284] : memref<16384x1024xf32, #tpu.memory_space<hbm>> -> memref<16x1024xf32, #tpu.memory_space<hbm>>
    tpu.enqueue_dma source(%arg8 : memref<16x1024xf32, #tpu.memory_space<vmem>>) target(%dma_start3A_285 : memref<16x1024xf32, #tpu.memory_space<hbm>>) target_semaphore(%arg20 : memref<!tpu.dma_semaphore, #tpu.memory_space<semaphore_mem>>)
    %dma_wait3A_286 = arith.constant 0 : i32
    %dma_wait3A_287 = tpu.memref_slice %arg4[%add3A_201, %dma_wait3A_286] : memref<16384x1024xf32, #tpu.memory_space<hbm>> -> memref<16x1024xf32, #tpu.memory_space<hbm>>
    %dma_wait3A_288 = arith.constant 0 : i32
    %dma_wait3A_289 = tpu.memref_slice %arg4[%add3A_201, %dma_wait3A_288] : memref<16384x1024xf32, #tpu.memory_space<hbm>> -> memref<16x1024xf32, #tpu.memory_space<hbm>>
    tpu.wait_dma2 semaphore(%arg22 : memref<!tpu.dma_semaphore, #tpu.memory_space<semaphore_mem>>) src(%arg10 : memref<16x1024xf32, #tpu.memory_space<vmem>>) dst(%dma_wait3A_289 : memref<16x1024xf32, #tpu.memory_space<hbm>>)
    %dma_start3A_290 = arith.constant 256 : i32
    %dma_start3A_291 = tpu.memref_slice %arg5[%dma_start3A_290] : memref<512xi32, #tpu.memory_space<vmem>> -> memref<16xi32, #tpu.memory_space<vmem>>
    %dma_start3A_292 = arith.constant 0 : i32
    %dma_start3A_293 = arith.constant 0 : i32
    %dma_start3A_294 = tpu.memref_slice %arg3[%dma_start3A_292, %dma_start3A_293] : memref<100000x1024xf32, #tpu.memory_space<hbm>> -> memref<100000x1024xf32, #tpu.memory_space<hbm>>
    tpu.enqueue_indirect_dma source(%dma_start3A_294 : memref<100000x1024xf32, #tpu.memory_space<hbm>>) target(%arg10 : memref<16x1024xf32, #tpu.memory_space<vmem>>) offsets(%dma_start3A_291 : memref<16xi32, #tpu.memory_space<vmem>>) semaphore(%arg16 : memref<!tpu.dma_semaphore, #tpu.memory_space<semaphore_mem>>)
    %dma_wait3A_295 = arith.constant 240 : i32
    %dma_wait3A_296 = tpu.memref_slice %arg5[%dma_wait3A_295] : memref<512xi32, #tpu.memory_space<vmem>> -> memref<16xi32, #tpu.memory_space<vmem>>
    %dma_wait3A_297 = arith.constant 0 : i32
    %dma_wait3A_298 = arith.constant 0 : i32
    %dma_wait3A_299 = tpu.memref_slice %arg3[%dma_wait3A_297, %dma_wait3A_298] : memref<100000x1024xf32, #tpu.memory_space<hbm>> -> memref<100000x1024xf32, #tpu.memory_space<hbm>>
    tpu.wait_indirect_dma semaphore(%arg15 : memref<!tpu.dma_semaphore, #tpu.memory_space<semaphore_mem>>) src(%dma_wait3A_299 : memref<100000x1024xf32, #tpu.memory_space<hbm>>) dst(%arg9 : memref<16x1024xf32, #tpu.memory_space<vmem>>)
    %add3A_300 = arith.constant 240 : i32
    %add3A_301 = arith.addi %mul3A_2, %add3A_300 : i32
    %dma_start3A_302 = arith.constant 0 : i32
    %dma_start3A_303 = tpu.memref_slice %arg4[%add3A_301, %dma_start3A_302] : memref<16384x1024xf32, #tpu.memory_space<hbm>> -> memref<16x1024xf32, #tpu.memory_space<hbm>>
    %dma_start3A_304 = arith.constant 0 : i32
    %dma_start3A_305 = tpu.memref_slice %arg4[%add3A_301, %dma_start3A_304] : memref<16384x1024xf32, #tpu.memory_space<hbm>> -> memref<16x1024xf32, #tpu.memory_space<hbm>>
    tpu.enqueue_dma source(%arg9 : memref<16x1024xf32, #tpu.memory_space<vmem>>) target(%dma_start3A_305 : memref<16x1024xf32, #tpu.memory_space<hbm>>) target_semaphore(%arg21 : memref<!tpu.dma_semaphore, #tpu.memory_space<semaphore_mem>>)
    %dma_wait3A_306 = arith.constant 0 : i32
    %dma_wait3A_307 = tpu.memref_slice %arg4[%add3A_221, %dma_wait3A_306] : memref<16384x1024xf32, #tpu.memory_space<hbm>> -> memref<16x1024xf32, #tpu.memory_space<hbm>>
    %dma_wait3A_308 = arith.constant 0 : i32
    %dma_wait3A_309 = tpu.memref_slice %arg4[%add3A_221, %dma_wait3A_308] : memref<16384x1024xf32, #tpu.memory_space<hbm>> -> memref<16x1024xf32, #tpu.memory_space<hbm>>
    tpu.wait_dma2 semaphore(%arg23 : memref<!tpu.dma_semaphore, #tpu.memory_space<semaphore_mem>>) src(%arg11 : memref<16x1024xf32, #tpu.memory_space<vmem>>) dst(%dma_wait3A_309 : memref<16x1024xf32, #tpu.memory_space<hbm>>)
    %dma_start3A_310 = arith.constant 272 : i32
    %dma_start3A_311 = tpu.memref_slice %arg5[%dma_start3A_310] : memref<512xi32, #tpu.memory_space<vmem>> -> memref<16xi32, #tpu.memory_space<vmem>>
    %dma_start3A_312 = arith.constant 0 : i32
    %dma_start3A_313 = arith.constant 0 : i32
    %dma_start3A_314 = tpu.memref_slice %arg3[%dma_start3A_312, %dma_start3A_313] : memref<100000x1024xf32, #tpu.memory_space<hbm>> -> memref<100000x1024xf32, #tpu.memory_space<hbm>>
    tpu.enqueue_indirect_dma source(%dma_start3A_314 : memref<100000x1024xf32, #tpu.memory_space<hbm>>) target(%arg11 : memref<16x1024xf32, #tpu.memory_space<vmem>>) offsets(%dma_start3A_311 : memref<16xi32, #tpu.memory_space<vmem>>) semaphore(%arg17 : memref<!tpu.dma_semaphore, #tpu.memory_space<semaphore_mem>>)
    %dma_wait3A_315 = arith.constant 256 : i32
    %dma_wait3A_316 = tpu.memref_slice %arg5[%dma_wait3A_315] : memref<512xi32, #tpu.memory_space<vmem>> -> memref<16xi32, #tpu.memory_space<vmem>>
    %dma_wait3A_317 = arith.constant 0 : i32
    %dma_wait3A_318 = arith.constant 0 : i32
    %dma_wait3A_319 = tpu.memref_slice %arg3[%dma_wait3A_317, %dma_wait3A_318] : memref<100000x1024xf32, #tpu.memory_space<hbm>> -> memref<100000x1024xf32, #tpu.memory_space<hbm>>
    tpu.wait_indirect_dma semaphore(%arg16 : memref<!tpu.dma_semaphore, #tpu.memory_space<semaphore_mem>>) src(%dma_wait3A_319 : memref<100000x1024xf32, #tpu.memory_space<hbm>>) dst(%arg10 : memref<16x1024xf32, #tpu.memory_space<vmem>>)
    %add3A_320 = arith.constant 256 : i32
    %add3A_321 = arith.addi %mul3A_2, %add3A_320 : i32
    %dma_start3A_322 = arith.constant 0 : i32
    %dma_start3A_323 = tpu.memref_slice %arg4[%add3A_321, %dma_start3A_322] : memref<16384x1024xf32, #tpu.memory_space<hbm>> -> memref<16x1024xf32, #tpu.memory_space<hbm>>
    %dma_start3A_324 = arith.constant 0 : i32
    %dma_start3A_325 = tpu.memref_slice %arg4[%add3A_321, %dma_start3A_324] : memref<16384x1024xf32, #tpu.memory_space<hbm>> -> memref<16x1024xf32, #tpu.memory_space<hbm>>
    tpu.enqueue_dma source(%arg10 : memref<16x1024xf32, #tpu.memory_space<vmem>>) target(%dma_start3A_325 : memref<16x1024xf32, #tpu.memory_space<hbm>>) target_semaphore(%arg22 : memref<!tpu.dma_semaphore, #tpu.memory_space<semaphore_mem>>)
    %dma_wait3A_326 = arith.constant 0 : i32
    %dma_wait3A_327 = tpu.memref_slice %arg4[%add3A_241, %dma_wait3A_326] : memref<16384x1024xf32, #tpu.memory_space<hbm>> -> memref<16x1024xf32, #tpu.memory_space<hbm>>
    %dma_wait3A_328 = arith.constant 0 : i32
    %dma_wait3A_329 = tpu.memref_slice %arg4[%add3A_241, %dma_wait3A_328] : memref<16384x1024xf32, #tpu.memory_space<hbm>> -> memref<16x1024xf32, #tpu.memory_space<hbm>>
    tpu.wait_dma2 semaphore(%arg18 : memref<!tpu.dma_semaphore, #tpu.memory_space<semaphore_mem>>) src(%arg6 : memref<16x1024xf32, #tpu.memory_space<vmem>>) dst(%dma_wait3A_329 : memref<16x1024xf32, #tpu.memory_space<hbm>>)
    %dma_start3A_330 = arith.constant 288 : i32
    %dma_start3A_331 = tpu.memref_slice %arg5[%dma_start3A_330] : memref<512xi32, #tpu.memory_space<vmem>> -> memref<16xi32, #tpu.memory_space<vmem>>
    %dma_start3A_332 = arith.constant 0 : i32
    %dma_start3A_333 = arith.constant 0 : i32
    %dma_start3A_334 = tpu.memref_slice %arg3[%dma_start3A_332, %dma_start3A_333] : memref<100000x1024xf32, #tpu.memory_space<hbm>> -> memref<100000x1024xf32, #tpu.memory_space<hbm>>
    tpu.enqueue_indirect_dma source(%dma_start3A_334 : memref<100000x1024xf32, #tpu.memory_space<hbm>>) target(%arg6 : memref<16x1024xf32, #tpu.memory_space<vmem>>) offsets(%dma_start3A_331 : memref<16xi32, #tpu.memory_space<vmem>>) semaphore(%arg12 : memref<!tpu.dma_semaphore, #tpu.memory_space<semaphore_mem>>)
    %dma_wait3A_335 = arith.constant 272 : i32
    %dma_wait3A_336 = tpu.memref_slice %arg5[%dma_wait3A_335] : memref<512xi32, #tpu.memory_space<vmem>> -> memref<16xi32, #tpu.memory_space<vmem>>
    %dma_wait3A_337 = arith.constant 0 : i32
    %dma_wait3A_338 = arith.constant 0 : i32
    %dma_wait3A_339 = tpu.memref_slice %arg3[%dma_wait3A_337, %dma_wait3A_338] : memref<100000x1024xf32, #tpu.memory_space<hbm>> -> memref<100000x1024xf32, #tpu.memory_space<hbm>>
    tpu.wait_indirect_dma semaphore(%arg17 : memref<!tpu.dma_semaphore, #tpu.memory_space<semaphore_mem>>) src(%dma_wait3A_339 : memref<100000x1024xf32, #tpu.memory_space<hbm>>) dst(%arg11 : memref<16x1024xf32, #tpu.memory_space<vmem>>)
    %add3A_340 = arith.constant 272 : i32
    %add3A_341 = arith.addi %mul3A_2, %add3A_340 : i32
    %dma_start3A_342 = arith.constant 0 : i32
    %dma_start3A_343 = tpu.memref_slice %arg4[%add3A_341, %dma_start3A_342] : memref<16384x1024xf32, #tpu.memory_space<hbm>> -> memref<16x1024xf32, #tpu.memory_space<hbm>>
    %dma_start3A_344 = arith.constant 0 : i32
    %dma_start3A_345 = tpu.memref_slice %arg4[%add3A_341, %dma_start3A_344] : memref<16384x1024xf32, #tpu.memory_space<hbm>> -> memref<16x1024xf32, #tpu.memory_space<hbm>>
    tpu.enqueue_dma source(%arg11 : memref<16x1024xf32, #tpu.memory_space<vmem>>) target(%dma_start3A_345 : memref<16x1024xf32, #tpu.memory_space<hbm>>) target_semaphore(%arg23 : memref<!tpu.dma_semaphore, #tpu.memory_space<semaphore_mem>>)
    %dma_wait3A_346 = arith.constant 0 : i32
    %dma_wait3A_347 = tpu.memref_slice %arg4[%add3A_261, %dma_wait3A_346] : memref<16384x1024xf32, #tpu.memory_space<hbm>> -> memref<16x1024xf32, #tpu.memory_space<hbm>>
    %dma_wait3A_348 = arith.constant 0 : i32
    %dma_wait3A_349 = tpu.memref_slice %arg4[%add3A_261, %dma_wait3A_348] : memref<16384x1024xf32, #tpu.memory_space<hbm>> -> memref<16x1024xf32, #tpu.memory_space<hbm>>
    tpu.wait_dma2 semaphore(%arg19 : memref<!tpu.dma_semaphore, #tpu.memory_space<semaphore_mem>>) src(%arg7 : memref<16x1024xf32, #tpu.memory_space<vmem>>) dst(%dma_wait3A_349 : memref<16x1024xf32, #tpu.memory_space<hbm>>)
    %dma_start3A_350 = arith.constant 304 : i32
    %dma_start3A_351 = tpu.memref_slice %arg5[%dma_start3A_350] : memref<512xi32, #tpu.memory_space<vmem>> -> memref<16xi32, #tpu.memory_space<vmem>>
    %dma_start3A_352 = arith.constant 0 : i32
    %dma_start3A_353 = arith.constant 0 : i32
    %dma_start3A_354 = tpu.memref_slice %arg3[%dma_start3A_352, %dma_start3A_353] : memref<100000x1024xf32, #tpu.memory_space<hbm>> -> memref<100000x1024xf32, #tpu.memory_space<hbm>>
    tpu.enqueue_indirect_dma source(%dma_start3A_354 : memref<100000x1024xf32, #tpu.memory_space<hbm>>) target(%arg7 : memref<16x1024xf32, #tpu.memory_space<vmem>>) offsets(%dma_start3A_351 : memref<16xi32, #tpu.memory_space<vmem>>) semaphore(%arg13 : memref<!tpu.dma_semaphore, #tpu.memory_space<semaphore_mem>>)
    %dma_wait3A_355 = arith.constant 288 : i32
    %dma_wait3A_356 = tpu.memref_slice %arg5[%dma_wait3A_355] : memref<512xi32, #tpu.memory_space<vmem>> -> memref<16xi32, #tpu.memory_space<vmem>>
    %dma_wait3A_357 = arith.constant 0 : i32
    %dma_wait3A_358 = arith.constant 0 : i32
    %dma_wait3A_359 = tpu.memref_slice %arg3[%dma_wait3A_357, %dma_wait3A_358] : memref<100000x1024xf32, #tpu.memory_space<hbm>> -> memref<100000x1024xf32, #tpu.memory_space<hbm>>
    tpu.wait_indirect_dma semaphore(%arg12 : memref<!tpu.dma_semaphore, #tpu.memory_space<semaphore_mem>>) src(%dma_wait3A_359 : memref<100000x1024xf32, #tpu.memory_space<hbm>>) dst(%arg6 : memref<16x1024xf32, #tpu.memory_space<vmem>>)
    %add3A_360 = arith.constant 288 : i32
    %add3A_361 = arith.addi %mul3A_2, %add3A_360 : i32
    %dma_start3A_362 = arith.constant 0 : i32
    %dma_start3A_363 = tpu.memref_slice %arg4[%add3A_361, %dma_start3A_362] : memref<16384x1024xf32, #tpu.memory_space<hbm>> -> memref<16x1024xf32, #tpu.memory_space<hbm>>
    %dma_start3A_364 = arith.constant 0 : i32
    %dma_start3A_365 = tpu.memref_slice %arg4[%add3A_361, %dma_start3A_364] : memref<16384x1024xf32, #tpu.memory_space<hbm>> -> memref<16x1024xf32, #tpu.memory_space<hbm>>
    tpu.enqueue_dma source(%arg6 : memref<16x1024xf32, #tpu.memory_space<vmem>>) target(%dma_start3A_365 : memref<16x1024xf32, #tpu.memory_space<hbm>>) target_semaphore(%arg18 : memref<!tpu.dma_semaphore, #tpu.memory_space<semaphore_mem>>)
    %dma_wait3A_366 = arith.constant 0 : i32
    %dma_wait3A_367 = tpu.memref_slice %arg4[%add3A_281, %dma_wait3A_366] : memref<16384x1024xf32, #tpu.memory_space<hbm>> -> memref<16x1024xf32, #tpu.memory_space<hbm>>
    %dma_wait3A_368 = arith.constant 0 : i32
    %dma_wait3A_369 = tpu.memref_slice %arg4[%add3A_281, %dma_wait3A_368] : memref<16384x1024xf32, #tpu.memory_space<hbm>> -> memref<16x1024xf32, #tpu.memory_space<hbm>>
    tpu.wait_dma2 semaphore(%arg20 : memref<!tpu.dma_semaphore, #tpu.memory_space<semaphore_mem>>) src(%arg8 : memref<16x1024xf32, #tpu.memory_space<vmem>>) dst(%dma_wait3A_369 : memref<16x1024xf32, #tpu.memory_space<hbm>>)
    %dma_start3A_370 = arith.constant 320 : i32
    %dma_start3A_371 = tpu.memref_slice %arg5[%dma_start3A_370] : memref<512xi32, #tpu.memory_space<vmem>> -> memref<16xi32, #tpu.memory_space<vmem>>
    %dma_start3A_372 = arith.constant 0 : i32
    %dma_start3A_373 = arith.constant 0 : i32
    %dma_start3A_374 = tpu.memref_slice %arg3[%dma_start3A_372, %dma_start3A_373] : memref<100000x1024xf32, #tpu.memory_space<hbm>> -> memref<100000x1024xf32, #tpu.memory_space<hbm>>
    tpu.enqueue_indirect_dma source(%dma_start3A_374 : memref<100000x1024xf32, #tpu.memory_space<hbm>>) target(%arg8 : memref<16x1024xf32, #tpu.memory_space<vmem>>) offsets(%dma_start3A_371 : memref<16xi32, #tpu.memory_space<vmem>>) semaphore(%arg14 : memref<!tpu.dma_semaphore, #tpu.memory_space<semaphore_mem>>)
    %dma_wait3A_375 = arith.constant 304 : i32
    %dma_wait3A_376 = tpu.memref_slice %arg5[%dma_wait3A_375] : memref<512xi32, #tpu.memory_space<vmem>> -> memref<16xi32, #tpu.memory_space<vmem>>
    %dma_wait3A_377 = arith.constant 0 : i32
    %dma_wait3A_378 = arith.constant 0 : i32
    %dma_wait3A_379 = tpu.memref_slice %arg3[%dma_wait3A_377, %dma_wait3A_378] : memref<100000x1024xf32, #tpu.memory_space<hbm>> -> memref<100000x1024xf32, #tpu.memory_space<hbm>>
    tpu.wait_indirect_dma semaphore(%arg13 : memref<!tpu.dma_semaphore, #tpu.memory_space<semaphore_mem>>) src(%dma_wait3A_379 : memref<100000x1024xf32, #tpu.memory_space<hbm>>) dst(%arg7 : memref<16x1024xf32, #tpu.memory_space<vmem>>)
    %add3A_380 = arith.constant 304 : i32
    %add3A_381 = arith.addi %mul3A_2, %add3A_380 : i32
    %dma_start3A_382 = arith.constant 0 : i32
    %dma_start3A_383 = tpu.memref_slice %arg4[%add3A_381, %dma_start3A_382] : memref<16384x1024xf32, #tpu.memory_space<hbm>> -> memref<16x1024xf32, #tpu.memory_space<hbm>>
    %dma_start3A_384 = arith.constant 0 : i32
    %dma_start3A_385 = tpu.memref_slice %arg4[%add3A_381, %dma_start3A_384] : memref<16384x1024xf32, #tpu.memory_space<hbm>> -> memref<16x1024xf32, #tpu.memory_space<hbm>>
    tpu.enqueue_dma source(%arg7 : memref<16x1024xf32, #tpu.memory_space<vmem>>) target(%dma_start3A_385 : memref<16x1024xf32, #tpu.memory_space<hbm>>) target_semaphore(%arg19 : memref<!tpu.dma_semaphore, #tpu.memory_space<semaphore_mem>>)
    %dma_wait3A_386 = arith.constant 0 : i32
    %dma_wait3A_387 = tpu.memref_slice %arg4[%add3A_301, %dma_wait3A_386] : memref<16384x1024xf32, #tpu.memory_space<hbm>> -> memref<16x1024xf32, #tpu.memory_space<hbm>>
    %dma_wait3A_388 = arith.constant 0 : i32
    %dma_wait3A_389 = tpu.memref_slice %arg4[%add3A_301, %dma_wait3A_388] : memref<16384x1024xf32, #tpu.memory_space<hbm>> -> memref<16x1024xf32, #tpu.memory_space<hbm>>
    tpu.wait_dma2 semaphore(%arg21 : memref<!tpu.dma_semaphore, #tpu.memory_space<semaphore_mem>>) src(%arg9 : memref<16x1024xf32, #tpu.memory_space<vmem>>) dst(%dma_wait3A_389 : memref<16x1024xf32, #tpu.memory_space<hbm>>)
    %dma_start3A_390 = arith.constant 336 : i32
    %dma_start3A_391 = tpu.memref_slice %arg5[%dma_start3A_390] : memref<512xi32, #tpu.memory_space<vmem>> -> memref<16xi32, #tpu.memory_space<vmem>>
    %dma_start3A_392 = arith.constant 0 : i32
    %dma_start3A_393 = arith.constant 0 : i32
    %dma_start3A_394 = tpu.memref_slice %arg3[%dma_start3A_392, %dma_start3A_393] : memref<100000x1024xf32, #tpu.memory_space<hbm>> -> memref<100000x1024xf32, #tpu.memory_space<hbm>>
    tpu.enqueue_indirect_dma source(%dma_start3A_394 : memref<100000x1024xf32, #tpu.memory_space<hbm>>) target(%arg9 : memref<16x1024xf32, #tpu.memory_space<vmem>>) offsets(%dma_start3A_391 : memref<16xi32, #tpu.memory_space<vmem>>) semaphore(%arg15 : memref<!tpu.dma_semaphore, #tpu.memory_space<semaphore_mem>>)
    %dma_wait3A_395 = arith.constant 320 : i32
    %dma_wait3A_396 = tpu.memref_slice %arg5[%dma_wait3A_395] : memref<512xi32, #tpu.memory_space<vmem>> -> memref<16xi32, #tpu.memory_space<vmem>>
    %dma_wait3A_397 = arith.constant 0 : i32
    %dma_wait3A_398 = arith.constant 0 : i32
    %dma_wait3A_399 = tpu.memref_slice %arg3[%dma_wait3A_397, %dma_wait3A_398] : memref<100000x1024xf32, #tpu.memory_space<hbm>> -> memref<100000x1024xf32, #tpu.memory_space<hbm>>
    tpu.wait_indirect_dma semaphore(%arg14 : memref<!tpu.dma_semaphore, #tpu.memory_space<semaphore_mem>>) src(%dma_wait3A_399 : memref<100000x1024xf32, #tpu.memory_space<hbm>>) dst(%arg8 : memref<16x1024xf32, #tpu.memory_space<vmem>>)
    %add3A_400 = arith.constant 320 : i32
    %add3A_401 = arith.addi %mul3A_2, %add3A_400 : i32
    %dma_start3A_402 = arith.constant 0 : i32
    %dma_start3A_403 = tpu.memref_slice %arg4[%add3A_401, %dma_start3A_402] : memref<16384x1024xf32, #tpu.memory_space<hbm>> -> memref<16x1024xf32, #tpu.memory_space<hbm>>
    %dma_start3A_404 = arith.constant 0 : i32
    %dma_start3A_405 = tpu.memref_slice %arg4[%add3A_401, %dma_start3A_404] : memref<16384x1024xf32, #tpu.memory_space<hbm>> -> memref<16x1024xf32, #tpu.memory_space<hbm>>
    tpu.enqueue_dma source(%arg8 : memref<16x1024xf32, #tpu.memory_space<vmem>>) target(%dma_start3A_405 : memref<16x1024xf32, #tpu.memory_space<hbm>>) target_semaphore(%arg20 : memref<!tpu.dma_semaphore, #tpu.memory_space<semaphore_mem>>)
    %dma_wait3A_406 = arith.constant 0 : i32
    %dma_wait3A_407 = tpu.memref_slice %arg4[%add3A_321, %dma_wait3A_406] : memref<16384x1024xf32, #tpu.memory_space<hbm>> -> memref<16x1024xf32, #tpu.memory_space<hbm>>
    %dma_wait3A_408 = arith.constant 0 : i32
    %dma_wait3A_409 = tpu.memref_slice %arg4[%add3A_321, %dma_wait3A_408] : memref<16384x1024xf32, #tpu.memory_space<hbm>> -> memref<16x1024xf32, #tpu.memory_space<hbm>>
    tpu.wait_dma2 semaphore(%arg22 : memref<!tpu.dma_semaphore, #tpu.memory_space<semaphore_mem>>) src(%arg10 : memref<16x1024xf32, #tpu.memory_space<vmem>>) dst(%dma_wait3A_409 : memref<16x1024xf32, #tpu.memory_space<hbm>>)
    %dma_start3A_410 = arith.constant 352 : i32
    %dma_start3A_411 = tpu.memref_slice %arg5[%dma_start3A_410] : memref<512xi32, #tpu.memory_space<vmem>> -> memref<16xi32, #tpu.memory_space<vmem>>
    %dma_start3A_412 = arith.constant 0 : i32
    %dma_start3A_413 = arith.constant 0 : i32
    %dma_start3A_414 = tpu.memref_slice %arg3[%dma_start3A_412, %dma_start3A_413] : memref<100000x1024xf32, #tpu.memory_space<hbm>> -> memref<100000x1024xf32, #tpu.memory_space<hbm>>
    tpu.enqueue_indirect_dma source(%dma_start3A_414 : memref<100000x1024xf32, #tpu.memory_space<hbm>>) target(%arg10 : memref<16x1024xf32, #tpu.memory_space<vmem>>) offsets(%dma_start3A_411 : memref<16xi32, #tpu.memory_space<vmem>>) semaphore(%arg16 : memref<!tpu.dma_semaphore, #tpu.memory_space<semaphore_mem>>)
    %dma_wait3A_415 = arith.constant 336 : i32
    %dma_wait3A_416 = tpu.memref_slice %arg5[%dma_wait3A_415] : memref<512xi32, #tpu.memory_space<vmem>> -> memref<16xi32, #tpu.memory_space<vmem>>
    %dma_wait3A_417 = arith.constant 0 : i32
    %dma_wait3A_418 = arith.constant 0 : i32
    %dma_wait3A_419 = tpu.memref_slice %arg3[%dma_wait3A_417, %dma_wait3A_418] : memref<100000x1024xf32, #tpu.memory_space<hbm>> -> memref<100000x1024xf32, #tpu.memory_space<hbm>>
    tpu.wait_indirect_dma semaphore(%arg15 : memref<!tpu.dma_semaphore, #tpu.memory_space<semaphore_mem>>) src(%dma_wait3A_419 : memref<100000x1024xf32, #tpu.memory_space<hbm>>) dst(%arg9 : memref<16x1024xf32, #tpu.memory_space<vmem>>)
    %add3A_420 = arith.constant 336 : i32
    %add3A_421 = arith.addi %mul3A_2, %add3A_420 : i32
    %dma_start3A_422 = arith.constant 0 : i32
    %dma_start3A_423 = tpu.memref_slice %arg4[%add3A_421, %dma_start3A_422] : memref<16384x1024xf32, #tpu.memory_space<hbm>> -> memref<16x1024xf32, #tpu.memory_space<hbm>>
    %dma_start3A_424 = arith.constant 0 : i32
    %dma_start3A_425 = tpu.memref_slice %arg4[%add3A_421, %dma_start3A_424] : memref<16384x1024xf32, #tpu.memory_space<hbm>> -> memref<16x1024xf32, #tpu.memory_space<hbm>>
    tpu.enqueue_dma source(%arg9 : memref<16x1024xf32, #tpu.memory_space<vmem>>) target(%dma_start3A_425 : memref<16x1024xf32, #tpu.memory_space<hbm>>) target_semaphore(%arg21 : memref<!tpu.dma_semaphore, #tpu.memory_space<semaphore_mem>>)
    %dma_wait3A_426 = arith.constant 0 : i32
    %dma_wait3A_427 = tpu.memref_slice %arg4[%add3A_341, %dma_wait3A_426] : memref<16384x1024xf32, #tpu.memory_space<hbm>> -> memref<16x1024xf32, #tpu.memory_space<hbm>>
    %dma_wait3A_428 = arith.constant 0 : i32
    %dma_wait3A_429 = tpu.memref_slice %arg4[%add3A_341, %dma_wait3A_428] : memref<16384x1024xf32, #tpu.memory_space<hbm>> -> memref<16x1024xf32, #tpu.memory_space<hbm>>
    tpu.wait_dma2 semaphore(%arg23 : memref<!tpu.dma_semaphore, #tpu.memory_space<semaphore_mem>>) src(%arg11 : memref<16x1024xf32, #tpu.memory_space<vmem>>) dst(%dma_wait3A_429 : memref<16x1024xf32, #tpu.memory_space<hbm>>)
    %dma_start3A_430 = arith.constant 368 : i32
    %dma_start3A_431 = tpu.memref_slice %arg5[%dma_start3A_430] : memref<512xi32, #tpu.memory_space<vmem>> -> memref<16xi32, #tpu.memory_space<vmem>>
    %dma_start3A_432 = arith.constant 0 : i32
    %dma_start3A_433 = arith.constant 0 : i32
    %dma_start3A_434 = tpu.memref_slice %arg3[%dma_start3A_432, %dma_start3A_433] : memref<100000x1024xf32, #tpu.memory_space<hbm>> -> memref<100000x1024xf32, #tpu.memory_space<hbm>>
    tpu.enqueue_indirect_dma source(%dma_start3A_434 : memref<100000x1024xf32, #tpu.memory_space<hbm>>) target(%arg11 : memref<16x1024xf32, #tpu.memory_space<vmem>>) offsets(%dma_start3A_431 : memref<16xi32, #tpu.memory_space<vmem>>) semaphore(%arg17 : memref<!tpu.dma_semaphore, #tpu.memory_space<semaphore_mem>>)
    %dma_wait3A_435 = arith.constant 352 : i32
    %dma_wait3A_436 = tpu.memref_slice %arg5[%dma_wait3A_435] : memref<512xi32, #tpu.memory_space<vmem>> -> memref<16xi32, #tpu.memory_space<vmem>>
    %dma_wait3A_437 = arith.constant 0 : i32
    %dma_wait3A_438 = arith.constant 0 : i32
    %dma_wait3A_439 = tpu.memref_slice %arg3[%dma_wait3A_437, %dma_wait3A_438] : memref<100000x1024xf32, #tpu.memory_space<hbm>> -> memref<100000x1024xf32, #tpu.memory_space<hbm>>
    tpu.wait_indirect_dma semaphore(%arg16 : memref<!tpu.dma_semaphore, #tpu.memory_space<semaphore_mem>>) src(%dma_wait3A_439 : memref<100000x1024xf32, #tpu.memory_space<hbm>>) dst(%arg10 : memref<16x1024xf32, #tpu.memory_space<vmem>>)
    %add3A_440 = arith.constant 352 : i32
    %add3A_441 = arith.addi %mul3A_2, %add3A_440 : i32
    %dma_start3A_442 = arith.constant 0 : i32
    %dma_start3A_443 = tpu.memref_slice %arg4[%add3A_441, %dma_start3A_442] : memref<16384x1024xf32, #tpu.memory_space<hbm>> -> memref<16x1024xf32, #tpu.memory_space<hbm>>
    %dma_start3A_444 = arith.constant 0 : i32
    %dma_start3A_445 = tpu.memref_slice %arg4[%add3A_441, %dma_start3A_444] : memref<16384x1024xf32, #tpu.memory_space<hbm>> -> memref<16x1024xf32, #tpu.memory_space<hbm>>
    tpu.enqueue_dma source(%arg10 : memref<16x1024xf32, #tpu.memory_space<vmem>>) target(%dma_start3A_445 : memref<16x1024xf32, #tpu.memory_space<hbm>>) target_semaphore(%arg22 : memref<!tpu.dma_semaphore, #tpu.memory_space<semaphore_mem>>)
    %dma_wait3A_446 = arith.constant 0 : i32
    %dma_wait3A_447 = tpu.memref_slice %arg4[%add3A_361, %dma_wait3A_446] : memref<16384x1024xf32, #tpu.memory_space<hbm>> -> memref<16x1024xf32, #tpu.memory_space<hbm>>
    %dma_wait3A_448 = arith.constant 0 : i32
    %dma_wait3A_449 = tpu.memref_slice %arg4[%add3A_361, %dma_wait3A_448] : memref<16384x1024xf32, #tpu.memory_space<hbm>> -> memref<16x1024xf32, #tpu.memory_space<hbm>>
    tpu.wait_dma2 semaphore(%arg18 : memref<!tpu.dma_semaphore, #tpu.memory_space<semaphore_mem>>) src(%arg6 : memref<16x1024xf32, #tpu.memory_space<vmem>>) dst(%dma_wait3A_449 : memref<16x1024xf32, #tpu.memory_space<hbm>>)
    %dma_start3A_450 = arith.constant 384 : i32
    %dma_start3A_451 = tpu.memref_slice %arg5[%dma_start3A_450] : memref<512xi32, #tpu.memory_space<vmem>> -> memref<16xi32, #tpu.memory_space<vmem>>
    %dma_start3A_452 = arith.constant 0 : i32
    %dma_start3A_453 = arith.constant 0 : i32
    %dma_start3A_454 = tpu.memref_slice %arg3[%dma_start3A_452, %dma_start3A_453] : memref<100000x1024xf32, #tpu.memory_space<hbm>> -> memref<100000x1024xf32, #tpu.memory_space<hbm>>
    tpu.enqueue_indirect_dma source(%dma_start3A_454 : memref<100000x1024xf32, #tpu.memory_space<hbm>>) target(%arg6 : memref<16x1024xf32, #tpu.memory_space<vmem>>) offsets(%dma_start3A_451 : memref<16xi32, #tpu.memory_space<vmem>>) semaphore(%arg12 : memref<!tpu.dma_semaphore, #tpu.memory_space<semaphore_mem>>)
    %dma_wait3A_455 = arith.constant 368 : i32
    %dma_wait3A_456 = tpu.memref_slice %arg5[%dma_wait3A_455] : memref<512xi32, #tpu.memory_space<vmem>> -> memref<16xi32, #tpu.memory_space<vmem>>
    %dma_wait3A_457 = arith.constant 0 : i32
    %dma_wait3A_458 = arith.constant 0 : i32
    %dma_wait3A_459 = tpu.memref_slice %arg3[%dma_wait3A_457, %dma_wait3A_458] : memref<100000x1024xf32, #tpu.memory_space<hbm>> -> memref<100000x1024xf32, #tpu.memory_space<hbm>>
    tpu.wait_indirect_dma semaphore(%arg17 : memref<!tpu.dma_semaphore, #tpu.memory_space<semaphore_mem>>) src(%dma_wait3A_459 : memref<100000x1024xf32, #tpu.memory_space<hbm>>) dst(%arg11 : memref<16x1024xf32, #tpu.memory_space<vmem>>)
    %add3A_460 = arith.constant 368 : i32
    %add3A_461 = arith.addi %mul3A_2, %add3A_460 : i32
    %dma_start3A_462 = arith.constant 0 : i32
    %dma_start3A_463 = tpu.memref_slice %arg4[%add3A_461, %dma_start3A_462] : memref<16384x1024xf32, #tpu.memory_space<hbm>> -> memref<16x1024xf32, #tpu.memory_space<hbm>>
    %dma_start3A_464 = arith.constant 0 : i32
    %dma_start3A_465 = tpu.memref_slice %arg4[%add3A_461, %dma_start3A_464] : memref<16384x1024xf32, #tpu.memory_space<hbm>> -> memref<16x1024xf32, #tpu.memory_space<hbm>>
    tpu.enqueue_dma source(%arg11 : memref<16x1024xf32, #tpu.memory_space<vmem>>) target(%dma_start3A_465 : memref<16x1024xf32, #tpu.memory_space<hbm>>) target_semaphore(%arg23 : memref<!tpu.dma_semaphore, #tpu.memory_space<semaphore_mem>>)
    %dma_wait3A_466 = arith.constant 0 : i32
    %dma_wait3A_467 = tpu.memref_slice %arg4[%add3A_381, %dma_wait3A_466] : memref<16384x1024xf32, #tpu.memory_space<hbm>> -> memref<16x1024xf32, #tpu.memory_space<hbm>>
    %dma_wait3A_468 = arith.constant 0 : i32
    %dma_wait3A_469 = tpu.memref_slice %arg4[%add3A_381, %dma_wait3A_468] : memref<16384x1024xf32, #tpu.memory_space<hbm>> -> memref<16x1024xf32, #tpu.memory_space<hbm>>
    tpu.wait_dma2 semaphore(%arg19 : memref<!tpu.dma_semaphore, #tpu.memory_space<semaphore_mem>>) src(%arg7 : memref<16x1024xf32, #tpu.memory_space<vmem>>) dst(%dma_wait3A_469 : memref<16x1024xf32, #tpu.memory_space<hbm>>)
    %dma_start3A_470 = arith.constant 400 : i32
    %dma_start3A_471 = tpu.memref_slice %arg5[%dma_start3A_470] : memref<512xi32, #tpu.memory_space<vmem>> -> memref<16xi32, #tpu.memory_space<vmem>>
    %dma_start3A_472 = arith.constant 0 : i32
    %dma_start3A_473 = arith.constant 0 : i32
    %dma_start3A_474 = tpu.memref_slice %arg3[%dma_start3A_472, %dma_start3A_473] : memref<100000x1024xf32, #tpu.memory_space<hbm>> -> memref<100000x1024xf32, #tpu.memory_space<hbm>>
    tpu.enqueue_indirect_dma source(%dma_start3A_474 : memref<100000x1024xf32, #tpu.memory_space<hbm>>) target(%arg7 : memref<16x1024xf32, #tpu.memory_space<vmem>>) offsets(%dma_start3A_471 : memref<16xi32, #tpu.memory_space<vmem>>) semaphore(%arg13 : memref<!tpu.dma_semaphore, #tpu.memory_space<semaphore_mem>>)
    %dma_wait3A_475 = arith.constant 384 : i32
    %dma_wait3A_476 = tpu.memref_slice %arg5[%dma_wait3A_475] : memref<512xi32, #tpu.memory_space<vmem>> -> memref<16xi32, #tpu.memory_space<vmem>>
    %dma_wait3A_477 = arith.constant 0 : i32
    %dma_wait3A_478 = arith.constant 0 : i32
    %dma_wait3A_479 = tpu.memref_slice %arg3[%dma_wait3A_477, %dma_wait3A_478] : memref<100000x1024xf32, #tpu.memory_space<hbm>> -> memref<100000x1024xf32, #tpu.memory_space<hbm>>
    tpu.wait_indirect_dma semaphore(%arg12 : memref<!tpu.dma_semaphore, #tpu.memory_space<semaphore_mem>>) src(%dma_wait3A_479 : memref<100000x1024xf32, #tpu.memory_space<hbm>>) dst(%arg6 : memref<16x1024xf32, #tpu.memory_space<vmem>>)
    %add3A_480 = arith.constant 384 : i32
    %add3A_481 = arith.addi %mul3A_2, %add3A_480 : i32
    %dma_start3A_482 = arith.constant 0 : i32
    %dma_start3A_483 = tpu.memref_slice %arg4[%add3A_481, %dma_start3A_482] : memref<16384x1024xf32, #tpu.memory_space<hbm>> -> memref<16x1024xf32, #tpu.memory_space<hbm>>
    %dma_start3A_484 = arith.constant 0 : i32
    %dma_start3A_485 = tpu.memref_slice %arg4[%add3A_481, %dma_start3A_484] : memref<16384x1024xf32, #tpu.memory_space<hbm>> -> memref<16x1024xf32, #tpu.memory_space<hbm>>
    tpu.enqueue_dma source(%arg6 : memref<16x1024xf32, #tpu.memory_space<vmem>>) target(%dma_start3A_485 : memref<16x1024xf32, #tpu.memory_space<hbm>>) target_semaphore(%arg18 : memref<!tpu.dma_semaphore, #tpu.memory_space<semaphore_mem>>)
    %dma_wait3A_486 = arith.constant 0 : i32
    %dma_wait3A_487 = tpu.memref_slice %arg4[%add3A_401, %dma_wait3A_486] : memref<16384x1024xf32, #tpu.memory_space<hbm>> -> memref<16x1024xf32, #tpu.memory_space<hbm>>
    %dma_wait3A_488 = arith.constant 0 : i32
    %dma_wait3A_489 = tpu.memref_slice %arg4[%add3A_401, %dma_wait3A_488] : memref<16384x1024xf32, #tpu.memory_space<hbm>> -> memref<16x1024xf32, #tpu.memory_space<hbm>>
    tpu.wait_dma2 semaphore(%arg20 : memref<!tpu.dma_semaphore, #tpu.memory_space<semaphore_mem>>) src(%arg8 : memref<16x1024xf32, #tpu.memory_space<vmem>>) dst(%dma_wait3A_489 : memref<16x1024xf32, #tpu.memory_space<hbm>>)
    %dma_start3A_490 = arith.constant 416 : i32
    %dma_start3A_491 = tpu.memref_slice %arg5[%dma_start3A_490] : memref<512xi32, #tpu.memory_space<vmem>> -> memref<16xi32, #tpu.memory_space<vmem>>
    %dma_start3A_492 = arith.constant 0 : i32
    %dma_start3A_493 = arith.constant 0 : i32
    %dma_start3A_494 = tpu.memref_slice %arg3[%dma_start3A_492, %dma_start3A_493] : memref<100000x1024xf32, #tpu.memory_space<hbm>> -> memref<100000x1024xf32, #tpu.memory_space<hbm>>
    tpu.enqueue_indirect_dma source(%dma_start3A_494 : memref<100000x1024xf32, #tpu.memory_space<hbm>>) target(%arg8 : memref<16x1024xf32, #tpu.memory_space<vmem>>) offsets(%dma_start3A_491 : memref<16xi32, #tpu.memory_space<vmem>>) semaphore(%arg14 : memref<!tpu.dma_semaphore, #tpu.memory_space<semaphore_mem>>)
    %dma_wait3A_495 = arith.constant 400 : i32
    %dma_wait3A_496 = tpu.memref_slice %arg5[%dma_wait3A_495] : memref<512xi32, #tpu.memory_space<vmem>> -> memref<16xi32, #tpu.memory_space<vmem>>
    %dma_wait3A_497 = arith.constant 0 : i32
    %dma_wait3A_498 = arith.constant 0 : i32
    %dma_wait3A_499 = tpu.memref_slice %arg3[%dma_wait3A_497, %dma_wait3A_498] : memref<100000x1024xf32, #tpu.memory_space<hbm>> -> memref<100000x1024xf32, #tpu.memory_space<hbm>>
    tpu.wait_indirect_dma semaphore(%arg13 : memref<!tpu.dma_semaphore, #tpu.memory_space<semaphore_mem>>) src(%dma_wait3A_499 : memref<100000x1024xf32, #tpu.memory_space<hbm>>) dst(%arg7 : memref<16x1024xf32, #tpu.memory_space<vmem>>)
    %add3A_500 = arith.constant 400 : i32
    %add3A_501 = arith.addi %mul3A_2, %add3A_500 : i32
    %dma_start3A_502 = arith.constant 0 : i32
    %dma_start3A_503 = tpu.memref_slice %arg4[%add3A_501, %dma_start3A_502] : memref<16384x1024xf32, #tpu.memory_space<hbm>> -> memref<16x1024xf32, #tpu.memory_space<hbm>>
    %dma_start3A_504 = arith.constant 0 : i32
    %dma_start3A_505 = tpu.memref_slice %arg4[%add3A_501, %dma_start3A_504] : memref<16384x1024xf32, #tpu.memory_space<hbm>> -> memref<16x1024xf32, #tpu.memory_space<hbm>>
    tpu.enqueue_dma source(%arg7 : memref<16x1024xf32, #tpu.memory_space<vmem>>) target(%dma_start3A_505 : memref<16x1024xf32, #tpu.memory_space<hbm>>) target_semaphore(%arg19 : memref<!tpu.dma_semaphore, #tpu.memory_space<semaphore_mem>>)
    %dma_wait3A_506 = arith.constant 0 : i32
    %dma_wait3A_507 = tpu.memref_slice %arg4[%add3A_421, %dma_wait3A_506] : memref<16384x1024xf32, #tpu.memory_space<hbm>> -> memref<16x1024xf32, #tpu.memory_space<hbm>>
    %dma_wait3A_508 = arith.constant 0 : i32
    %dma_wait3A_509 = tpu.memref_slice %arg4[%add3A_421, %dma_wait3A_508] : memref<16384x1024xf32, #tpu.memory_space<hbm>> -> memref<16x1024xf32, #tpu.memory_space<hbm>>
    tpu.wait_dma2 semaphore(%arg21 : memref<!tpu.dma_semaphore, #tpu.memory_space<semaphore_mem>>) src(%arg9 : memref<16x1024xf32, #tpu.memory_space<vmem>>) dst(%dma_wait3A_509 : memref<16x1024xf32, #tpu.memory_space<hbm>>)
    %dma_start3A_510 = arith.constant 432 : i32
    %dma_start3A_511 = tpu.memref_slice %arg5[%dma_start3A_510] : memref<512xi32, #tpu.memory_space<vmem>> -> memref<16xi32, #tpu.memory_space<vmem>>
    %dma_start3A_512 = arith.constant 0 : i32
    %dma_start3A_513 = arith.constant 0 : i32
    %dma_start3A_514 = tpu.memref_slice %arg3[%dma_start3A_512, %dma_start3A_513] : memref<100000x1024xf32, #tpu.memory_space<hbm>> -> memref<100000x1024xf32, #tpu.memory_space<hbm>>
    tpu.enqueue_indirect_dma source(%dma_start3A_514 : memref<100000x1024xf32, #tpu.memory_space<hbm>>) target(%arg9 : memref<16x1024xf32, #tpu.memory_space<vmem>>) offsets(%dma_start3A_511 : memref<16xi32, #tpu.memory_space<vmem>>) semaphore(%arg15 : memref<!tpu.dma_semaphore, #tpu.memory_space<semaphore_mem>>)
    %dma_wait3A_515 = arith.constant 416 : i32
    %dma_wait3A_516 = tpu.memref_slice %arg5[%dma_wait3A_515] : memref<512xi32, #tpu.memory_space<vmem>> -> memref<16xi32, #tpu.memory_space<vmem>>
    %dma_wait3A_517 = arith.constant 0 : i32
    %dma_wait3A_518 = arith.constant 0 : i32
    %dma_wait3A_519 = tpu.memref_slice %arg3[%dma_wait3A_517, %dma_wait3A_518] : memref<100000x1024xf32, #tpu.memory_space<hbm>> -> memref<100000x1024xf32, #tpu.memory_space<hbm>>
    tpu.wait_indirect_dma semaphore(%arg14 : memref<!tpu.dma_semaphore, #tpu.memory_space<semaphore_mem>>) src(%dma_wait3A_519 : memref<100000x1024xf32, #tpu.memory_space<hbm>>) dst(%arg8 : memref<16x1024xf32, #tpu.memory_space<vmem>>)
    %add3A_520 = arith.constant 416 : i32
    %add3A_521 = arith.addi %mul3A_2, %add3A_520 : i32
    %dma_start3A_522 = arith.constant 0 : i32
    %dma_start3A_523 = tpu.memref_slice %arg4[%add3A_521, %dma_start3A_522] : memref<16384x1024xf32, #tpu.memory_space<hbm>> -> memref<16x1024xf32, #tpu.memory_space<hbm>>
    %dma_start3A_524 = arith.constant 0 : i32
    %dma_start3A_525 = tpu.memref_slice %arg4[%add3A_521, %dma_start3A_524] : memref<16384x1024xf32, #tpu.memory_space<hbm>> -> memref<16x1024xf32, #tpu.memory_space<hbm>>
    tpu.enqueue_dma source(%arg8 : memref<16x1024xf32, #tpu.memory_space<vmem>>) target(%dma_start3A_525 : memref<16x1024xf32, #tpu.memory_space<hbm>>) target_semaphore(%arg20 : memref<!tpu.dma_semaphore, #tpu.memory_space<semaphore_mem>>)
    %dma_wait3A_526 = arith.constant 0 : i32
    %dma_wait3A_527 = tpu.memref_slice %arg4[%add3A_441, %dma_wait3A_526] : memref<16384x1024xf32, #tpu.memory_space<hbm>> -> memref<16x1024xf32, #tpu.memory_space<hbm>>
    %dma_wait3A_528 = arith.constant 0 : i32
    %dma_wait3A_529 = tpu.memref_slice %arg4[%add3A_441, %dma_wait3A_528] : memref<16384x1024xf32, #tpu.memory_space<hbm>> -> memref<16x1024xf32, #tpu.memory_space<hbm>>
    tpu.wait_dma2 semaphore(%arg22 : memref<!tpu.dma_semaphore, #tpu.memory_space<semaphore_mem>>) src(%arg10 : memref<16x1024xf32, #tpu.memory_space<vmem>>) dst(%dma_wait3A_529 : memref<16x1024xf32, #tpu.memory_space<hbm>>)
    %dma_start3A_530 = arith.constant 448 : i32
    %dma_start3A_531 = tpu.memref_slice %arg5[%dma_start3A_530] : memref<512xi32, #tpu.memory_space<vmem>> -> memref<16xi32, #tpu.memory_space<vmem>>
    %dma_start3A_532 = arith.constant 0 : i32
    %dma_start3A_533 = arith.constant 0 : i32
    %dma_start3A_534 = tpu.memref_slice %arg3[%dma_start3A_532, %dma_start3A_533] : memref<100000x1024xf32, #tpu.memory_space<hbm>> -> memref<100000x1024xf32, #tpu.memory_space<hbm>>
    tpu.enqueue_indirect_dma source(%dma_start3A_534 : memref<100000x1024xf32, #tpu.memory_space<hbm>>) target(%arg10 : memref<16x1024xf32, #tpu.memory_space<vmem>>) offsets(%dma_start3A_531 : memref<16xi32, #tpu.memory_space<vmem>>) semaphore(%arg16 : memref<!tpu.dma_semaphore, #tpu.memory_space<semaphore_mem>>)
    %dma_wait3A_535 = arith.constant 432 : i32
    %dma_wait3A_536 = tpu.memref_slice %arg5[%dma_wait3A_535] : memref<512xi32, #tpu.memory_space<vmem>> -> memref<16xi32, #tpu.memory_space<vmem>>
    %dma_wait3A_537 = arith.constant 0 : i32
    %dma_wait3A_538 = arith.constant 0 : i32
    %dma_wait3A_539 = tpu.memref_slice %arg3[%dma_wait3A_537, %dma_wait3A_538] : memref<100000x1024xf32, #tpu.memory_space<hbm>> -> memref<100000x1024xf32, #tpu.memory_space<hbm>>
    tpu.wait_indirect_dma semaphore(%arg15 : memref<!tpu.dma_semaphore, #tpu.memory_space<semaphore_mem>>) src(%dma_wait3A_539 : memref<100000x1024xf32, #tpu.memory_space<hbm>>) dst(%arg9 : memref<16x1024xf32, #tpu.memory_space<vmem>>)
    %add3A_540 = arith.constant 432 : i32
    %add3A_541 = arith.addi %mul3A_2, %add3A_540 : i32
    %dma_start3A_542 = arith.constant 0 : i32
    %dma_start3A_543 = tpu.memref_slice %arg4[%add3A_541, %dma_start3A_542] : memref<16384x1024xf32, #tpu.memory_space<hbm>> -> memref<16x1024xf32, #tpu.memory_space<hbm>>
    %dma_start3A_544 = arith.constant 0 : i32
    %dma_start3A_545 = tpu.memref_slice %arg4[%add3A_541, %dma_start3A_544] : memref<16384x1024xf32, #tpu.memory_space<hbm>> -> memref<16x1024xf32, #tpu.memory_space<hbm>>
    tpu.enqueue_dma source(%arg9 : memref<16x1024xf32, #tpu.memory_space<vmem>>) target(%dma_start3A_545 : memref<16x1024xf32, #tpu.memory_space<hbm>>) target_semaphore(%arg21 : memref<!tpu.dma_semaphore, #tpu.memory_space<semaphore_mem>>)
    %dma_wait3A_546 = arith.constant 0 : i32
    %dma_wait3A_547 = tpu.memref_slice %arg4[%add3A_461, %dma_wait3A_546] : memref<16384x1024xf32, #tpu.memory_space<hbm>> -> memref<16x1024xf32, #tpu.memory_space<hbm>>
    %dma_wait3A_548 = arith.constant 0 : i32
    %dma_wait3A_549 = tpu.memref_slice %arg4[%add3A_461, %dma_wait3A_548] : memref<16384x1024xf32, #tpu.memory_space<hbm>> -> memref<16x1024xf32, #tpu.memory_space<hbm>>
    tpu.wait_dma2 semaphore(%arg23 : memref<!tpu.dma_semaphore, #tpu.memory_space<semaphore_mem>>) src(%arg11 : memref<16x1024xf32, #tpu.memory_space<vmem>>) dst(%dma_wait3A_549 : memref<16x1024xf32, #tpu.memory_space<hbm>>)
    %dma_start3A_550 = arith.constant 464 : i32
    %dma_start3A_551 = tpu.memref_slice %arg5[%dma_start3A_550] : memref<512xi32, #tpu.memory_space<vmem>> -> memref<16xi32, #tpu.memory_space<vmem>>
    %dma_start3A_552 = arith.constant 0 : i32
    %dma_start3A_553 = arith.constant 0 : i32
    %dma_start3A_554 = tpu.memref_slice %arg3[%dma_start3A_552, %dma_start3A_553] : memref<100000x1024xf32, #tpu.memory_space<hbm>> -> memref<100000x1024xf32, #tpu.memory_space<hbm>>
    tpu.enqueue_indirect_dma source(%dma_start3A_554 : memref<100000x1024xf32, #tpu.memory_space<hbm>>) target(%arg11 : memref<16x1024xf32, #tpu.memory_space<vmem>>) offsets(%dma_start3A_551 : memref<16xi32, #tpu.memory_space<vmem>>) semaphore(%arg17 : memref<!tpu.dma_semaphore, #tpu.memory_space<semaphore_mem>>)
    %dma_wait3A_555 = arith.constant 448 : i32
    %dma_wait3A_556 = tpu.memref_slice %arg5[%dma_wait3A_555] : memref<512xi32, #tpu.memory_space<vmem>> -> memref<16xi32, #tpu.memory_space<vmem>>
    %dma_wait3A_557 = arith.constant 0 : i32
    %dma_wait3A_558 = arith.constant 0 : i32
    %dma_wait3A_559 = tpu.memref_slice %arg3[%dma_wait3A_557, %dma_wait3A_558] : memref<100000x1024xf32, #tpu.memory_space<hbm>> -> memref<100000x1024xf32, #tpu.memory_space<hbm>>
    tpu.wait_indirect_dma semaphore(%arg16 : memref<!tpu.dma_semaphore, #tpu.memory_space<semaphore_mem>>) src(%dma_wait3A_559 : memref<100000x1024xf32, #tpu.memory_space<hbm>>) dst(%arg10 : memref<16x1024xf32, #tpu.memory_space<vmem>>)
    %add3A_560 = arith.constant 448 : i32
    %add3A_561 = arith.addi %mul3A_2, %add3A_560 : i32
    %dma_start3A_562 = arith.constant 0 : i32
    %dma_start3A_563 = tpu.memref_slice %arg4[%add3A_561, %dma_start3A_562] : memref<16384x1024xf32, #tpu.memory_space<hbm>> -> memref<16x1024xf32, #tpu.memory_space<hbm>>
    %dma_start3A_564 = arith.constant 0 : i32
    %dma_start3A_565 = tpu.memref_slice %arg4[%add3A_561, %dma_start3A_564] : memref<16384x1024xf32, #tpu.memory_space<hbm>> -> memref<16x1024xf32, #tpu.memory_space<hbm>>
    tpu.enqueue_dma source(%arg10 : memref<16x1024xf32, #tpu.memory_space<vmem>>) target(%dma_start3A_565 : memref<16x1024xf32, #tpu.memory_space<hbm>>) target_semaphore(%arg22 : memref<!tpu.dma_semaphore, #tpu.memory_space<semaphore_mem>>)
    %dma_wait3A_566 = arith.constant 0 : i32
    %dma_wait3A_567 = tpu.memref_slice %arg4[%add3A_481, %dma_wait3A_566] : memref<16384x1024xf32, #tpu.memory_space<hbm>> -> memref<16x1024xf32, #tpu.memory_space<hbm>>
    %dma_wait3A_568 = arith.constant 0 : i32
    %dma_wait3A_569 = tpu.memref_slice %arg4[%add3A_481, %dma_wait3A_568] : memref<16384x1024xf32, #tpu.memory_space<hbm>> -> memref<16x1024xf32, #tpu.memory_space<hbm>>
    tpu.wait_dma2 semaphore(%arg18 : memref<!tpu.dma_semaphore, #tpu.memory_space<semaphore_mem>>) src(%arg6 : memref<16x1024xf32, #tpu.memory_space<vmem>>) dst(%dma_wait3A_569 : memref<16x1024xf32, #tpu.memory_space<hbm>>)
    %dma_start3A_570 = arith.constant 480 : i32
    %dma_start3A_571 = tpu.memref_slice %arg5[%dma_start3A_570] : memref<512xi32, #tpu.memory_space<vmem>> -> memref<16xi32, #tpu.memory_space<vmem>>
    %dma_start3A_572 = arith.constant 0 : i32
    %dma_start3A_573 = arith.constant 0 : i32
    %dma_start3A_574 = tpu.memref_slice %arg3[%dma_start3A_572, %dma_start3A_573] : memref<100000x1024xf32, #tpu.memory_space<hbm>> -> memref<100000x1024xf32, #tpu.memory_space<hbm>>
    tpu.enqueue_indirect_dma source(%dma_start3A_574 : memref<100000x1024xf32, #tpu.memory_space<hbm>>) target(%arg6 : memref<16x1024xf32, #tpu.memory_space<vmem>>) offsets(%dma_start3A_571 : memref<16xi32, #tpu.memory_space<vmem>>) semaphore(%arg12 : memref<!tpu.dma_semaphore, #tpu.memory_space<semaphore_mem>>)
    %dma_wait3A_575 = arith.constant 464 : i32
    %dma_wait3A_576 = tpu.memref_slice %arg5[%dma_wait3A_575] : memref<512xi32, #tpu.memory_space<vmem>> -> memref<16xi32, #tpu.memory_space<vmem>>
    %dma_wait3A_577 = arith.constant 0 : i32
    %dma_wait3A_578 = arith.constant 0 : i32
    %dma_wait3A_579 = tpu.memref_slice %arg3[%dma_wait3A_577, %dma_wait3A_578] : memref<100000x1024xf32, #tpu.memory_space<hbm>> -> memref<100000x1024xf32, #tpu.memory_space<hbm>>
    tpu.wait_indirect_dma semaphore(%arg17 : memref<!tpu.dma_semaphore, #tpu.memory_space<semaphore_mem>>) src(%dma_wait3A_579 : memref<100000x1024xf32, #tpu.memory_space<hbm>>) dst(%arg11 : memref<16x1024xf32, #tpu.memory_space<vmem>>)
    %add3A_580 = arith.constant 464 : i32
    %add3A_581 = arith.addi %mul3A_2, %add3A_580 : i32
    %dma_start3A_582 = arith.constant 0 : i32
    %dma_start3A_583 = tpu.memref_slice %arg4[%add3A_581, %dma_start3A_582] : memref<16384x1024xf32, #tpu.memory_space<hbm>> -> memref<16x1024xf32, #tpu.memory_space<hbm>>
    %dma_start3A_584 = arith.constant 0 : i32
    %dma_start3A_585 = tpu.memref_slice %arg4[%add3A_581, %dma_start3A_584] : memref<16384x1024xf32, #tpu.memory_space<hbm>> -> memref<16x1024xf32, #tpu.memory_space<hbm>>
    tpu.enqueue_dma source(%arg11 : memref<16x1024xf32, #tpu.memory_space<vmem>>) target(%dma_start3A_585 : memref<16x1024xf32, #tpu.memory_space<hbm>>) target_semaphore(%arg23 : memref<!tpu.dma_semaphore, #tpu.memory_space<semaphore_mem>>)
    %dma_wait3A_586 = arith.constant 0 : i32
    %dma_wait3A_587 = tpu.memref_slice %arg4[%add3A_501, %dma_wait3A_586] : memref<16384x1024xf32, #tpu.memory_space<hbm>> -> memref<16x1024xf32, #tpu.memory_space<hbm>>
    %dma_wait3A_588 = arith.constant 0 : i32
    %dma_wait3A_589 = tpu.memref_slice %arg4[%add3A_501, %dma_wait3A_588] : memref<16384x1024xf32, #tpu.memory_space<hbm>> -> memref<16x1024xf32, #tpu.memory_space<hbm>>
    tpu.wait_dma2 semaphore(%arg19 : memref<!tpu.dma_semaphore, #tpu.memory_space<semaphore_mem>>) src(%arg7 : memref<16x1024xf32, #tpu.memory_space<vmem>>) dst(%dma_wait3A_589 : memref<16x1024xf32, #tpu.memory_space<hbm>>)
    %dma_start3A_590 = arith.constant 496 : i32
    %dma_start3A_591 = tpu.memref_slice %arg5[%dma_start3A_590] : memref<512xi32, #tpu.memory_space<vmem>> -> memref<16xi32, #tpu.memory_space<vmem>>
    %dma_start3A_592 = arith.constant 0 : i32
    %dma_start3A_593 = arith.constant 0 : i32
    %dma_start3A_594 = tpu.memref_slice %arg3[%dma_start3A_592, %dma_start3A_593] : memref<100000x1024xf32, #tpu.memory_space<hbm>> -> memref<100000x1024xf32, #tpu.memory_space<hbm>>
    tpu.enqueue_indirect_dma source(%dma_start3A_594 : memref<100000x1024xf32, #tpu.memory_space<hbm>>) target(%arg7 : memref<16x1024xf32, #tpu.memory_space<vmem>>) offsets(%dma_start3A_591 : memref<16xi32, #tpu.memory_space<vmem>>) semaphore(%arg13 : memref<!tpu.dma_semaphore, #tpu.memory_space<semaphore_mem>>)
    %dma_wait3A_595 = arith.constant 480 : i32
    %dma_wait3A_596 = tpu.memref_slice %arg5[%dma_wait3A_595] : memref<512xi32, #tpu.memory_space<vmem>> -> memref<16xi32, #tpu.memory_space<vmem>>
    %dma_wait3A_597 = arith.constant 0 : i32
    %dma_wait3A_598 = arith.constant 0 : i32
    %dma_wait3A_599 = tpu.memref_slice %arg3[%dma_wait3A_597, %dma_wait3A_598] : memref<100000x1024xf32, #tpu.memory_space<hbm>> -> memref<100000x1024xf32, #tpu.memory_space<hbm>>
    tpu.wait_indirect_dma semaphore(%arg12 : memref<!tpu.dma_semaphore, #tpu.memory_space<semaphore_mem>>) src(%dma_wait3A_599 : memref<100000x1024xf32, #tpu.memory_space<hbm>>) dst(%arg6 : memref<16x1024xf32, #tpu.memory_space<vmem>>)
    %add3A_600 = arith.constant 480 : i32
    %add3A_601 = arith.addi %mul3A_2, %add3A_600 : i32
    %dma_start3A_602 = arith.constant 0 : i32
    %dma_start3A_603 = tpu.memref_slice %arg4[%add3A_601, %dma_start3A_602] : memref<16384x1024xf32, #tpu.memory_space<hbm>> -> memref<16x1024xf32, #tpu.memory_space<hbm>>
    %dma_start3A_604 = arith.constant 0 : i32
    %dma_start3A_605 = tpu.memref_slice %arg4[%add3A_601, %dma_start3A_604] : memref<16384x1024xf32, #tpu.memory_space<hbm>> -> memref<16x1024xf32, #tpu.memory_space<hbm>>
    tpu.enqueue_dma source(%arg6 : memref<16x1024xf32, #tpu.memory_space<vmem>>) target(%dma_start3A_605 : memref<16x1024xf32, #tpu.memory_space<hbm>>) target_semaphore(%arg18 : memref<!tpu.dma_semaphore, #tpu.memory_space<semaphore_mem>>)
    %dma_wait3A_606 = arith.constant 496 : i32
    %dma_wait3A_607 = tpu.memref_slice %arg5[%dma_wait3A_606] : memref<512xi32, #tpu.memory_space<vmem>> -> memref<16xi32, #tpu.memory_space<vmem>>
    %dma_wait3A_608 = arith.constant 0 : i32
    %dma_wait3A_609 = arith.constant 0 : i32
    %dma_wait3A_610 = tpu.memref_slice %arg3[%dma_wait3A_608, %dma_wait3A_609] : memref<100000x1024xf32, #tpu.memory_space<hbm>> -> memref<100000x1024xf32, #tpu.memory_space<hbm>>
    tpu.wait_indirect_dma semaphore(%arg13 : memref<!tpu.dma_semaphore, #tpu.memory_space<semaphore_mem>>) src(%dma_wait3A_610 : memref<100000x1024xf32, #tpu.memory_space<hbm>>) dst(%arg7 : memref<16x1024xf32, #tpu.memory_space<vmem>>)
    %add3A_611 = arith.constant 496 : i32
    %add3A_612 = arith.addi %mul3A_2, %add3A_611 : i32
    %dma_start3A_613 = arith.constant 0 : i32
    %dma_start3A_614 = tpu.memref_slice %arg4[%add3A_612, %dma_start3A_613] : memref<16384x1024xf32, #tpu.memory_space<hbm>> -> memref<16x1024xf32, #tpu.memory_space<hbm>>
    %dma_start3A_615 = arith.constant 0 : i32
    %dma_start3A_616 = tpu.memref_slice %arg4[%add3A_612, %dma_start3A_615] : memref<16384x1024xf32, #tpu.memory_space<hbm>> -> memref<16x1024xf32, #tpu.memory_space<hbm>>
    tpu.enqueue_dma source(%arg7 : memref<16x1024xf32, #tpu.memory_space<vmem>>) target(%dma_start3A_616 : memref<16x1024xf32, #tpu.memory_space<hbm>>) target_semaphore(%arg19 : memref<!tpu.dma_semaphore, #tpu.memory_space<semaphore_mem>>)
    %dma_wait3A_617 = arith.constant 0 : i32
    %dma_wait3A_618 = tpu.memref_slice %arg4[%add3A_601, %dma_wait3A_617] : memref<16384x1024xf32, #tpu.memory_space<hbm>> -> memref<16x1024xf32, #tpu.memory_space<hbm>>
    %dma_wait3A_619 = arith.constant 0 : i32
    %dma_wait3A_620 = tpu.memref_slice %arg4[%add3A_601, %dma_wait3A_619] : memref<16384x1024xf32, #tpu.memory_space<hbm>> -> memref<16x1024xf32, #tpu.memory_space<hbm>>
    tpu.wait_dma2 semaphore(%arg18 : memref<!tpu.dma_semaphore, #tpu.memory_space<semaphore_mem>>) src(%arg6 : memref<16x1024xf32, #tpu.memory_space<vmem>>) dst(%dma_wait3A_620 : memref<16x1024xf32, #tpu.memory_space<hbm>>)
    %dma_wait3A_621 = arith.constant 0 : i32
    %dma_wait3A_622 = tpu.memref_slice %arg4[%add3A_612, %dma_wait3A_621] : memref<16384x1024xf32, #tpu.memory_space<hbm>> -> memref<16x1024xf32, #tpu.memory_space<hbm>>
    %dma_wait3A_623 = arith.constant 0 : i32
    %dma_wait3A_624 = tpu.memref_slice %arg4[%add3A_612, %dma_wait3A_623] : memref<16384x1024xf32, #tpu.memory_space<hbm>> -> memref<16x1024xf32, #tpu.memory_space<hbm>>
    tpu.wait_dma2 semaphore(%arg19 : memref<!tpu.dma_semaphore, #tpu.memory_space<semaphore_mem>>) src(%arg7 : memref<16x1024xf32, #tpu.memory_space<vmem>>) dst(%dma_wait3A_624 : memref<16x1024xf32, #tpu.memory_space<hbm>>)
    %dma_wait3A_625 = arith.constant 0 : i32
    %dma_wait3A_626 = tpu.memref_slice %arg4[%add3A_521, %dma_wait3A_625] : memref<16384x1024xf32, #tpu.memory_space<hbm>> -> memref<16x1024xf32, #tpu.memory_space<hbm>>
    %dma_wait3A_627 = arith.constant 0 : i32
    %dma_wait3A_628 = tpu.memref_slice %arg4[%add3A_521, %dma_wait3A_627] : memref<16384x1024xf32, #tpu.memory_space<hbm>> -> memref<16x1024xf32, #tpu.memory_space<hbm>>
    tpu.wait_dma2 semaphore(%arg20 : memref<!tpu.dma_semaphore, #tpu.memory_space<semaphore_mem>>) src(%arg8 : memref<16x1024xf32, #tpu.memory_space<vmem>>) dst(%dma_wait3A_628 : memref<16x1024xf32, #tpu.memory_space<hbm>>)
    %dma_wait3A_629 = arith.constant 0 : i32
    %dma_wait3A_630 = tpu.memref_slice %arg4[%add3A_541, %dma_wait3A_629] : memref<16384x1024xf32, #tpu.memory_space<hbm>> -> memref<16x1024xf32, #tpu.memory_space<hbm>>
    %dma_wait3A_631 = arith.constant 0 : i32
    %dma_wait3A_632 = tpu.memref_slice %arg4[%add3A_541, %dma_wait3A_631] : memref<16384x1024xf32, #tpu.memory_space<hbm>> -> memref<16x1024xf32, #tpu.memory_space<hbm>>
    tpu.wait_dma2 semaphore(%arg21 : memref<!tpu.dma_semaphore, #tpu.memory_space<semaphore_mem>>) src(%arg9 : memref<16x1024xf32, #tpu.memory_space<vmem>>) dst(%dma_wait3A_632 : memref<16x1024xf32, #tpu.memory_space<hbm>>)
    %dma_wait3A_633 = arith.constant 0 : i32
    %dma_wait3A_634 = tpu.memref_slice %arg4[%add3A_561, %dma_wait3A_633] : memref<16384x1024xf32, #tpu.memory_space<hbm>> -> memref<16x1024xf32, #tpu.memory_space<hbm>>
    %dma_wait3A_635 = arith.constant 0 : i32
    %dma_wait3A_636 = tpu.memref_slice %arg4[%add3A_561, %dma_wait3A_635] : memref<16384x1024xf32, #tpu.memory_space<hbm>> -> memref<16x1024xf32, #tpu.memory_space<hbm>>
    tpu.wait_dma2 semaphore(%arg22 : memref<!tpu.dma_semaphore, #tpu.memory_space<semaphore_mem>>) src(%arg10 : memref<16x1024xf32, #tpu.memory_space<vmem>>) dst(%dma_wait3A_636 : memref<16x1024xf32, #tpu.memory_space<hbm>>)
    %dma_wait3A_637 = arith.constant 0 : i32
    %dma_wait3A_638 = tpu.memref_slice %arg4[%add3A_581, %dma_wait3A_637] : memref<16384x1024xf32, #tpu.memory_space<hbm>> -> memref<16x1024xf32, #tpu.memory_space<hbm>>
    %dma_wait3A_639 = arith.constant 0 : i32
    %dma_wait3A_640 = tpu.memref_slice %arg4[%add3A_581, %dma_wait3A_639] : memref<16384x1024xf32, #tpu.memory_space<hbm>> -> memref<16x1024xf32, #tpu.memory_space<hbm>>
    tpu.wait_dma2 semaphore(%arg23 : memref<!tpu.dma_semaphore, #tpu.memory_space<semaphore_mem>>) src(%arg11 : memref<16x1024xf32, #tpu.memory_space<vmem>>) dst(%dma_wait3A_640 : memref<16x1024xf32, #tpu.memory_space<hbm>>)
    return
  }
}

</mosaic_0001>

<sc_bundles>
// kernel: kernel.3.cloned.1.call-start
scs
__scs_entry_jumppad:
0x0: {  	(pc) =	sbr.rel $0x88, $3  }
0x1: {  	(tag) =	ssettag $0x0;
	lr =	simm.s32 $0x1  }
0x2: {  	[smem:$0x3F9F] =	sst lr;
	_ =	strace $0xD0000000  }
0x3: {  	_ = 	snop  }
0x4: {  	_ = 	snop  }
0x5: {  	_ = 	snop  }
0x6: {  	_ = 	snop  }
0x7: {  	_ = 	snop  }
__scs_overlays_trampoline_lowered:
0x8: {  	[smem:$0x3FAE] =	sst s0  }
0x9: {  	[smem:$0x3FAF] =	sst s1  }
0xa: {  	[smem:$0x3FB0] =	sst s2  }
0xb: {  	[smem:$0x3FB1] =	sst s3  }
0xc: {  	[smem:$0x3FB2] =	sst s4  }
0xd: {  	[smem:$0x3FB3] =	sst s5  }
0xe: {  	[smem:$0x3FB4] =	sst s6  }
0xf: {  	[smem:$0x3FB5] =	sst s7  }
0x10: {  	[smem:$0x3FB6] =	sst s8  }
0x11: {  	[smem:$0x3FB7] =	sst s9;
	s0 =	simm.s32 @!p0 $0x0  }
0x12: {  	s1 =	sld [smem:$0x3F9D];
	s0 =	simm.s32 @p0 $0x1  }
0x13: {  	[smem:$0x3FB8] =	sst s0;
	s0 =	simm.s32 @!p1 $0x0  }
0x14: {  	s2 =	sld [smem:$0x3F9C];
	s0 =	simm.s32 @p1 $0x1  }
0x15: {  	[smem:$0x3FB9] =	sst s0;
	s0 =	simm.s32 @!p2 $0x0  }
0x16: {  	s3 =	sld [smem:$0x3FDB];
	s0 =	simm.s32 @p2 $0x1  }
0x17: {  	s4 =	simm.s32 $0x1BF5;
	[smem:$0x3FBB] =	sst s0  }
0x18: {  	s0 =	sld [smem:$0x3F9E];
	_ =	swait.ge [sflag:s4], $0x0  }
0x19: {  	s7 =	sld [smem:$0x3F9F]  }
0x1a: {  	s8 =	sadd.s32 $0xFFFFE003, lr  }
0x1b: {  	s9 =	sadd.s32 $0xFFFFFEF7, lr;
	s5 =	simm.s32 $0xFFFFFFFF;
	p2 =	slt.u32 s8, $0xFFFFF086  }
0x1c: {  	p1 =	slt.u32 s9, $0xF7A;
	s5 =	simm.s32 @!p2 $0x0  }
0x1d: {  	s5 =	simm.s32 @p1 $0x1;
	p0 =	seq.s32 s7, s2  }
0x1e: {  	s7 =	smul.u32 @!p0 $0xF7A, s2;
	p2 =	seq.s32 @!p0 s5, $0x0  }
0x1f: {  	s9 =	smul.u32 $0xF7A, s1;
	s8 =	simm.s32 @!p0 $0x1BF5;
	p2 =	por !p2, p0  }
0x20: {  	[sflag:s8] =	ssyncset.s32 @!p0 $0xFFFFF086;
	s6 =	sadd.s32 @!p0 s3, s7;
	s7 =	simm.s32 @!p0 $0x108  }
0x21: {  	s3 =	sadd.s32 s3, s9;
	s6 =	sadd.s32 @!p0 $0x88, s6;
	s7 =	simm.s32 @p2 $0x1082  }
0x22: {  	[simem:s7], [sflag:s8] =	dma.local @!p0 [hbm:s6], $0xF7A  }
0x23: {  	s9 =	sor.u32 $0xD0000000, s2;
	s6 =	simm.s32 $0x108;
	_ =	swait.ge @!p0 [sflag:s8], $0x0  }
0x24: {  	s3 =	sadd.s32 $0x88, s3;
	s6 =	simm.s32 @!p1 $0x1082;
	[sflag:s4] =	ssyncset.s32 $0xFFFFF086  }
0x25: {  	[simem:s6], [sflag:s4] =	dma.local [hbm:s3], $0xF7A  }
0x26: {  	[smem:$0x3F9F] =	sst s1;
	(tag) =	ssettag s2;
	_ =	strace s9  }
0x27: {  	s1 =	sld [smem:$0x3FAF]  }
0x28: {  	s2 =	sld [smem:$0x3FB0]  }
0x29: {  	s4 =	sld [smem:$0x3FB2]  }
0x2a: {  	p0 =	seq.s32 s5, $0x0;
	s5 =	sld [smem:$0x3FB3]  }
0x2b: {  	s6 =	sld [smem:$0x3FB4]  }
0x2c: {  	s7 =	sld [smem:$0x3FB5]  }
0x2d: {  	s3 =	simm.s32 $0x108;
	s8 =	sld [smem:$0x3FB6]  }
0x2e: {  	s3 =	simm.s32 @!p0 $0x1082;
	s9 =	sld [smem:$0x3FB7]  }
0x2f: {  	lr =	sadd.s32 s0, s3;
	s0 =	sld [smem:$0x3FAE]  }
0x30: {  	s3 =	sld [smem:$0x3FB1]  }
0x31: {  	[smem:$0x3FBA] =	sst s10  }
0x32: {  	s10 =	sld [smem:$0x3FB8];
	_ =	sdelay $0x3  }
0x33: {  	p0 =	seq.s32 s10, $0x1;
	s10 =	sld [smem:$0x3FBA];
	_ =	sdelay $0x3  }
0x34: {  	[smem:$0x3FBA] =	sst s10  }
0x35: {  	s10 =	sld [smem:$0x3FB9];
	_ =	sdelay $0x3  }
0x36: {  	p1 =	seq.s32 s10, $0x1;
	s10 =	sld [smem:$0x3FBA];
	_ =	sdelay $0x3  }
0x37: {  	[smem:$0x3FBA] =	sst s10  }
0x38: {  	s10 =	sld [smem:$0x3FBB]  }
0x39: {  	_ = 	snop;
	(pc) =	sbr.ind lr, $3  }
0x3a: {  	_ = 	snop  }
0x3b: {  	_ = 	snop  }
0x3c: {  	p2 =	seq.s32 s10, $0x1;
	s10 =	sld [smem:$0x3FBA]  }
0x3d: {  	_ =	shalt  }
0x3e: {  	_ =	shalt  }
0x3f: {  	_ =	shalt  }
0x40: {  	_ =	shalt  }
0x41: {  	_ =	shalt  }
0x42: {  	_ =	shalt  }
0x43: {  	_ =	shalt  }
0x44: {  	_ =	shalt  }
0x45: {  	_ =	shalt  }
0x46: {  	_ =	shalt  }
0x47: {  	_ =	shalt  }
0x48: {  	_ =	shalt  }
0x49: {  	_ =	shalt  }
0x4a: {  	_ =	shalt  }
0x4b: {  	_ =	shalt  }
0x4c: {  	_ =	shalt  }
0x4d: {  	_ =	shalt  }
0x4e: {  	_ =	shalt  }
0x4f: {  	_ =	shalt  }
0x50: {  	_ =	shalt  }
0x51: {  	_ =	shalt  }
0x52: {  	_ =	shalt  }
0x53: {  	_ =	shalt  }
0x54: {  	_ =	shalt  }
0x55: {  	_ =	shalt  }
0x56: {  	_ =	shalt  }
0x57: {  	_ =	shalt  }
0x58: {  	_ =	shalt  }
0x59: {  	_ =	shalt  }
0x5a: {  	_ =	shalt  }
0x5b: {  	_ =	shalt  }
0x5c: {  	_ =	shalt  }
0x5d: {  	_ =	shalt  }
0x5e: {  	_ =	shalt  }
0x5f: {  	_ =	shalt  }
0x60: {  	_ =	shalt  }
0x61: {  	_ =	shalt  }
0x62: {  	_ =	shalt  }
0x63: {  	_ =	shalt  }
0x64: {  	_ =	shalt  }
0x65: {  	_ =	shalt  }
0x66: {  	_ =	shalt  }
0x67: {  	_ =	shalt  }
0x68: {  	_ =	shalt  }
0x69: {  	_ =	shalt  }
0x6a: {  	_ =	shalt  }
0x6b: {  	_ =	shalt  }
0x6c: {  	_ =	shalt  }
0x6d: {  	_ =	shalt  }
0x6e: {  	_ =	shalt  }
0x6f: {  	_ =	shalt  }
0x70: {  	_ =	shalt  }
0x71: {  	_ =	shalt  }
0x72: {  	_ =	shalt  }
0x73: {  	_ =	shalt  }
0x74: {  	_ =	shalt  }
0x75: {  	_ =	shalt  }
0x76: {  	_ =	shalt  }
0x77: {  	_ =	shalt  }
0x78: {  	_ =	shalt  }
0x79: {  	_ =	shalt  }
0x7a: {  	_ =	shalt  }
0x7b: {  	_ =	shalt  }
0x7c: {  	_ =	shalt  }
0x7d: {  	_ =	shalt  }
0x7e: {  	_ =	shalt  }
0x7f: {  	_ =	shalt  }
0x80: {  	_ =	shalt  }
0x81: {  	_ =	shalt  }
0x82: {  	_ =	shalt  }
0x83: {  	_ =	shalt  }
0x84: {  	_ =	shalt  }
0x85: {  	_ =	shalt  }
0x86: {  	_ =	shalt  }
0x87: {  	_ =	shalt  }
.Lfunc_end0:
.L_simem_size_0:
called_computation_lowered:
.L_overlay_start_0:
0x88: {  	s2 =	sld [smem:$0x3FD9]  }
0x89: {  	s3 =	sld [smem:$0x3FFE];
	_ =	sdelay $0x1  }
0x8a: {  	s1 =	srdreg.scid  }
0x8b: {  	s0 =	sand.u32 $0x1, s1  }
0x8c: {  	s17 =	sshll.u32 s0, $0xA;
	s2 =	sadd.s32 s3, s2  }
0x8d: {  	s2 =	sadd.s32 s2, s17  }
0x8e: {  	[smem:$0x3FC6] =	sst s2  }
0x8f: {  	_ = 	snop  }
0x90: {  	s2 =	sld [smem:$0x3FC8]  }
0x91: {  	s18 =	sld [smem:$0x3FD0];
	(tm) =	ssettm $0x1  }
0x92: {  	s4 =	sld [smem:$0x3FFB];
	_ =	sdelay $0x3  }
0x93: {  	_ =	strace s4  }
0x94: {  	s4 =	sld [smem:$0x3FFC];
	_ =	sdelay $0x3  }
0x95: {  	_ =	strace s4  }
0x96: {  	s4 =	sld [smem:$0x3FFD];
	_ =	sdelay $0x3  }
0x97: {  	_ =	strace s4  }
0x98: {  	_ =	strace $0x8FFFFFFF  }
0x99: {  	s19 =	sld [smem:$0x3FDB];
	_ =	sdelay $0x1  }
0x9a: {  	s5 =	simm.s32 $_scs_section_size  }
0x9b: {  	s6 =	simm.s32 $_size__tile_overlayer_lowered;
	s7 =	simm.s32 $_tile_overlayer_lowered  }
0x9c: {  	s22 =	simm.s32 $0x1BFF;
	s21 =	sshll.u32 s7, $0x1;
	s4 =	sadd.s32 s5, s19  }
0x9d: {  	s8 =	simm.s32 $0x0;
	s20 =	sshll.u32 s6, $0x1;
	s6 =	sadd.s32 s21, s4  }
0x9e: {  	[timem:s8], [sflag:s22] =	dma.local [hbm:s6], s20  }
0x9f: {  	_ =	swait.ge [sflag:s22], s20  }
0xa0: {  	s5 =	ssub.s32 $0x0, s20;
	[sflag:s22] =	ssyncset.done $0x0  }
0xa1: {  	[sflag:s22] =	ssyncadd.s32 s5;
	_ =	sdelay $0x1  }
0xa2: {  	s23 =	simm.s32 $0x1B8B  }
0xa3: {  	_ =	swait.ge [sflag:s23], $0x1  }
0xa4: {  	[sflag:s23] =	ssyncset.done $0x0  }
0xa5: {  	s25 =	simm.s32 $0x1B8E;
	s24 =	sld [smem:$0x3FFE];
	[sflag:s23] =	ssyncadd.s32 $0xFFFFFFFF  }
0xa6: {  	s26 =	simm.s32 $execute0_lowered;
	[smem:$0x3FD2] =	sst s25  }
0xa7: {  	s6 =	sshll.u32 s26, $0x1;
	_ =	strace $0x80000046;
	[dreg:$0x1] =	wrdreg $0xFFFFFFFF  }
0xa8: {  	s28 =	simm.s32 $_size_execute0_lowered;
	s4 =	sadd.s32 s4, s6;
	[dreg:$0x0] =	wrdreg $0x0  }
0xa9: {  	s6 =	sshll.u32 s28, $0x1;
	[dreg:$0x2] =	wrdreg s4  }
0xaa: {  	[dreg:$0x3] =	wrdreg s6  }
0xab: {  	[dreg:$0x4] =	wrdreg $0xC0  }
0xac: {  	_ =	task [dreg:s8], $0x5FFFF  }
0xad: {  	[dreg:$0x1] =	wrdreg $0xFFFFFFFF  }
0xae: {  	[dreg:$0x0] =	wrdreg $0x60  }
0xaf: {  	[dreg:$0x2] =	wrdreg s24  }
0xb0: {  	[dreg:$0x3] =	wrdreg s2  }
0xb1: {  	[dreg:$0x4] =	wrdreg s18  }
0xb2: {  	[dreg:$0x5] =	wrdreg $0x9  }
0xb3: {  	_ =	task.clear_ibuf [dreg:s8], $0x6FFFF;
	_ =	strace $0x90000046  }
0xb4: {  	s29 =	simm.s32 $0x9;
	_ =	strace $0x80000048  }
0xb5: {  	_ =	swait.ge [sflag:s29], $0x1  }
0xb6: {  	[sflag:s29] =	ssyncadd.s32 $0xFFFFFFFF  }
0xb7: {  	_ =	strace $0x90000048  }
0xb8: {  	_ =	sfence  }
0xb9: {  	s30 =	sld [smem:$0x0];
	_ =	sdelay $0x2  }
0xba: {  	s31 =	sshll.u32 s1, $0xD;
	s1 =	sshrl.u32 s1, $0x2  }
0xbb: {  	s3 =	sand.u32 $0x4000, s31;
	s1 =	sadd.s32 s1, s30  }
0xbc: {  	s0 =	sor.u32 s3, s0;
	s1 =	sshll.u32 s1, $0x11  }
0xbd: {  	s0 =	sor.u32 s1, s0  }
0xbe: {  	s0 =	sadd.s32 $0x8F2B, s0  }
0xbf: {  	[sflag:s0] =	ssyncadd.remote.s32 $0x1  }
0xc0: {  	_ =	sfence.sel $0xFFFF  }
0xc1: {  	[dreg:$0x0] =	wrdreg $0xFFFFFFFF;
	(pc) =	sbr.abs _section_cstart, $3  }
0xc2: {  	[dreg:$0x1] =	wrdreg $0xFFFFFFFF  }
0xc3: {  	_ =	task.clear_ibuf [dreg:s8], $0x2FFFF;
	_ =	strace $0x9FFFFFFF  }
0xc4: {  	(tm) =	ssettm $0x7FFFFFFF  }
0xc5: {  	_ =	shalt  }
tec
execute0_lowered:
.L_overlay_start_1:
0x0: {  	(tag) =	ssettag $0x1  }
0x1: {  	s0 =	srdreg.scid  }
0x2: {  	s1 =	rddreg [dreg:$0x0];
	s3 =	stileid.u32;
	s0 =	sand.u32 $0x1, s0  }
0x3: {  	s2 =	rddreg [dreg:$0x1];
	s3 =	sshll.u32 s3, $0xA;
	s4 =	sshll.u32 s0, $0x9  }
0x4: {  	s5 =	rddreg [dreg:$0x2];
	s4 =	sor.u32 s4, s3  }
0x5: {  	s3 =	simm.s32 $0x0;
	s6 =	sshrl.u32 s4, $0x3;
	s4 =	sshll.u32 s4, $0x7  }
0x6: {  	[smem:$0x7FF] =	sst s3;
	s1 =	sadd.s32 s6, s1;
	s8 =	sadd.s32 s5, s4  }
0x7: {  	_ =	strace $0x80000047;
	s1 =	sadd.s32 $0x400, s1;
	[smem:$0x7FC] =	sst s8  }
0x8: {  	s21 =	sadd.s32 $0x800, s8;
	[dreg:$0x4] =	wrdreg s1  }
0x9: {  	s22 =	sadd.s32 $0x1000, s8;
	[dreg:$0x5] =	wrdreg s21  }
0xa: {  	s23 =	sadd.s32 $0x1800, s8;
	[dreg:$0x6] =	wrdreg s22  }
0xb: {  	s24 =	sadd.s32 $0x2000, s8;
	[dreg:$0x7] =	wrdreg s23  }
0xc: {  	s25 =	sadd.s32 $0x2800, s8;
	[dreg:$0x8] =	wrdreg s24  }
0xd: {  	s26 =	sadd.s32 $0x3000, s8;
	[dreg:$0x9] =	wrdreg s25  }
0xe: {  	s28 =	sadd.s32 $0x3800, s8;
	[dreg:$0xa] =	wrdreg s26  }
0xf: {  	s30 =	sadd.s32 $0x4000, s8;
	[dreg:$0xb] =	wrdreg s28  }
0x10: {  	s4 =	sadd.s32 $0x4800, s8;
	[dreg:$0xc] =	wrdreg s30  }
0x11: {  	s5 =	sadd.s32 $0x5000, s8;
	[dreg:$0xd] =	wrdreg s4  }
0x12: {  	s6 =	sadd.s32 $0x5800, s8;
	[dreg:$0xe] =	wrdreg s5  }
0x13: {  	s7 =	sadd.s32 $0x6000, s8;
	[dreg:$0xf] =	wrdreg s6  }
0x14: {  	s9 =	sadd.s32 $0x6800, s8;
	[dreg:$0x10] =	wrdreg s7  }
0x15: {  	s10 =	sadd.s32 $0x7000, s8;
	[dreg:$0x11] =	wrdreg s9  }
0x16: {  	s11 =	sadd.s32 $0x7800, s8;
	[dreg:$0x12] =	wrdreg s10  }
0x17: {  	s12 =	sadd.s32 $0x8000, s8;
	[dreg:$0x13] =	wrdreg s11  }
0x18: {  	s13 =	sadd.s32 $0x8800, s8;
	[dreg:$0x14] =	wrdreg s12  }
0x19: {  	s14 =	sadd.s32 $0x9000, s8;
	[dreg:$0x15] =	wrdreg s13  }
0x1a: {  	s15 =	sadd.s32 $0x9800, s8;
	[dreg:$0x16] =	wrdreg s14  }
0x1b: {  	s16 =	sadd.s32 $0xA000, s8;
	[dreg:$0x17] =	wrdreg s15  }
0x1c: {  	s17 =	sadd.s32 $0xA800, s8;
	[dreg:$0x18] =	wrdreg s16  }
0x1d: {  	s18 =	sadd.s32 $0xB000, s8;
	[dreg:$0x19] =	wrdreg s17  }
0x1e: {  	s19 =	sadd.s32 $0xB800, s8;
	[dreg:$0x1a] =	wrdreg s18  }
0x1f: {  	s29 =	simm.s32 $0x2;
	s20 =	sadd.s32 $0xC000, s8;
	[dreg:$0x1b] =	wrdreg s19  }
0x20: {  	s31 =	simm.s32 $0x4;
	s0 =	ssub.s32 $0x2, s0;
	[dreg:$0x1c] =	wrdreg s20  }
0x21: {  	s21 =	sadd.s32 $0xC800, s8;
	s22 =	sadd.s32 $0xD000, s8;
	s23 =	sshrl.u32 s0, $0x1  }
0x22: {  	s24 =	sadd.s32 $0xD800, s8;
	s25 =	sadd.s32 $0xE000, s8;
	s5 =	sadd.s32 $0x100, s2  }
0x23: {  	s26 =	sadd.s32 $0xE800, s8;
	s6 =	sadd.s32 $0x200, s2;
	s28 =	sadd.s32 $0xF000, s8  }
0x24: {  	s7 =	sadd.s32 $0x300, s2;
	s30 =	sadd.s32 $0xF800, s8;
	[dreg:$0x1d] =	wrdreg s21  }
0x25: {  	s18 =	simm.s32 $0x3;
	s4 =	simm.s32 $0x5;
	[dreg:$0x1e] =	wrdreg s22  }
0x26: {  	s11 =	simm.s32 $0x7;
	s12 =	simm.s32 $0x6;
	[dreg:$0x1f] =	wrdreg s24  }
0x27: {  	s13 =	simm.s32 $0x8;
	s14 =	simm.s32 $0x9;
	[smem:$0x7F9] =	sst s25  }
0x28: {  	v2 =	vlaneseq.u32;
	s15 =	simm.s32 $0xA;
	s16 =	simm.s32 $0xB;
	[smem:$0x7FA] =	sst s26  }
0x29: {  	vm0 =	vmmov $0xffff;
	v1 =	vshrl.u32 v2, $0x3;
	s17 =	simm.s32 $0xC;
	s0 =	ssub.s32 s0, s23;
	[smem:$0x7FB] =	sst s28  }
0x2a: {  	v0 =	vand.u32 $0x7, v2;
	v2 =	vor.u32 $0x8, v2;
	v1 =	vmul.u32 $0x8, v1;
	[smem:$0x7FD] =	sst s30;
	s26 =	simm.s32 $0x1;
	s1 =	smax.u32 s0, $0x1  }
.LBB2_1:
0x2b: {  	[smem:$0x7F8] =	sst s1  }
0x2c: {  	s19 =	rddreg [dreg:$0x4];
	s25 =	simm.s32 $0xD  }
0x2d: {  	[tilespmem:s3], [sflag:$0xD] =	stream.linear.gather [hbm4b:s19+s3], $0x200, $0x38;
	[tilespmem:$0x18200] =	vst v63  }
0x2e: {  	_ =	swait.ge [sflag:s25], $0x200  }
0x2f: {  	[sflag:s25] =	ssyncset.done $0x0  }
0x30: {  	[sflag:s25] =	ssyncadd.s32 $0xFFFFFE00  }
0x31: {  	v3 =	vld [tilespmem:$0x0];
	_ =	sdelay $0x4  }
0x32: {  	v4 =	vshll.u32 v3, $0x3  }
0x33: {  	v3 =	vand.u32 $0x7, v3;
	v4 =	vand.u32 $0xFFFFFFC0, v4  }
0x34: {  	v3 =	vor.u32 v3, v4  }
0x35: {  	v4 =	vperm.xlane v3, v0;
	_ =	sdelay $0x1  }
0x36: {  	v4 =	vadd.s32 v1, v4;
	_ =	sdelay $0x3  }
0x37: {  	s28 =	simm.s32 $0x200  }
0x38: {  	[tilespmem:s28], [sflag:$0x1] =	stream.indirect_vreg.gather [hbm4b:s2+s3], $0x80, v4, vm0, $0xb8;
	[tilespmem:$0x18200] =	vst v63  }
0x39: {  	s30 =	simm.s32 $0xA00;
	v3 =	vperm.xlane v3, v2  }
0x3a: {  	[tilespmem:s30], [sflag:$0x1] =	stream.indirect_vreg.gather [hbm4b:s5+s3], $0x80, v4, vm0, $0xb8;
	[tilespmem:$0x18200] =	vst v63  }
0x3b: {  	s0 =	simm.s32 $0x1200;
	v3 =	vadd.s32 v1, v3  }
0x3c: {  	[tilespmem:s0], [sflag:$0x1] =	stream.indirect_vreg.gather [hbm4b:s6+s3], $0x80, v4, vm0, $0xb8;
	[tilespmem:$0x18200] =	vst v63  }
0x3d: {  	s8 =	simm.s32 $0x1A00  }
0x3e: {  	[tilespmem:s8], [sflag:$0x1] =	stream.indirect_vreg.gather [hbm4b:s7+s3], $0x80, v4, vm0, $0xb8;
	[tilespmem:$0x18200] =	vst v63  }
0x3f: {  	s10 =	simm.s32 $0x2200  }
0x40: {  	[tilespmem:s10], [sflag:$0x1] =	stream.indirect_vreg.gather [hbm4b:s2+s3], $0x80, v3, vm0, $0xb8;
	[tilespmem:$0x18200] =	vst v63  }
0x41: {  	s19 =	simm.s32 $0x2A00  }
0x42: {  	[tilespmem:s19], [sflag:$0x1] =	stream.indirect_vreg.gather [hbm4b:s5+s3], $0x80, v3, vm0, $0xb8;
	[tilespmem:$0x18200] =	vst v63  }
0x43: {  	s21 =	simm.s32 $0x3200  }
0x44: {  	[tilespmem:s21], [sflag:$0x1] =	stream.indirect_vreg.gather [hbm4b:s6+s3], $0x80, v3, vm0, $0xb8;
	[tilespmem:$0x18200] =	vst v63  }
0x45: {  	s22 =	simm.s32 $0x3A00  }
0x46: {  	[tilespmem:s22], [sflag:$0x1] =	stream.indirect_vreg.gather [hbm4b:s7+s3], $0x80, v3, vm0, $0xb8;
	[tilespmem:$0x18200] =	vst v63  }
0x47: {  	v3 =	vld [tilespmem:$0x10];
	_ =	sdelay $0x4  }
0x48: {  	v33 =	vshll.u32 v3, $0x3  }
0x49: {  	v3 =	vand.u32 $0x7, v3;
	v4 =	vand.u32 $0xFFFFFFC0, v33  }
0x4a: {  	v3 =	vor.u32 v3, v4  }
0x4b: {  	v4 =	vperm.xlane v3, v0;
	_ =	sdelay $0x1  }
0x4c: {  	v4 =	vadd.s32 v1, v4;
	_ =	sdelay $0x3  }
0x4d: {  	s0 =	simm.s32 $0x4200  }
0x4e: {  	[tilespmem:s0], [sflag:$0x2] =	stream.indirect_vreg.gather [hbm4b:s2+s3], $0x80, v4, vm0, $0xb8;
	[tilespmem:$0x18200] =	vst v63  }
0x4f: {  	s23 =	simm.s32 $0x4A00;
	v3 =	vperm.xlane v3, v2  }
0x50: {  	[tilespmem:s23], [sflag:$0x2] =	stream.indirect_vreg.gather [hbm4b:s5+s3], $0x80, v4, vm0, $0xb8;
	[tilespmem:$0x18200] =	vst v63  }
0x51: {  	s25 =	simm.s32 $0x5200;
	v3 =	vadd.s32 v1, v3  }
0x52: {  	[tilespmem:s25], [sflag:$0x2] =	stream.indirect_vreg.gather [hbm4b:s6+s3], $0x80, v4, vm0, $0xb8;
	[tilespmem:$0x18200] =	vst v63  }
0x53: {  	s28 =	simm.s32 $0x5A00  }
0x54: {  	[tilespmem:s28], [sflag:$0x2] =	stream.indirect_vreg.gather [hbm4b:s7+s3], $0x80, v4, vm0, $0xb8;
	[tilespmem:$0x18200] =	vst v63  }
0x55: {  	s30 =	simm.s32 $0x6200  }
0x56: {  	[tilespmem:s30], [sflag:$0x2] =	stream.indirect_vreg.gather [hbm4b:s2+s3], $0x80, v3, vm0, $0xb8;
	[tilespmem:$0x18200] =	vst v63  }
0x57: {  	s1 =	simm.s32 $0x6A00  }
0x58: {  	[tilespmem:s1], [sflag:$0x2] =	stream.indirect_vreg.gather [hbm4b:s5+s3], $0x80, v3, vm0, $0xb8;
	[tilespmem:$0x18200] =	vst v63  }
0x59: {  	s8 =	simm.s32 $0x7200  }
0x5a: {  	[tilespmem:s8], [sflag:$0x2] =	stream.indirect_vreg.gather [hbm4b:s6+s3], $0x80, v3, vm0, $0xb8;
	[tilespmem:$0x18200] =	vst v63  }
0x5b: {  	s10 =	simm.s32 $0x7A00  }
0x5c: {  	[tilespmem:s10], [sflag:$0x2] =	stream.indirect_vreg.gather [hbm4b:s7+s3], $0x80, v3, vm0, $0xb8;
	[tilespmem:$0x18200] =	vst v63  }
0x5d: {  	_ =	swait.ge [sflag:s26], $0x4000  }
0x5e: {  	s21 =	sld [smem:$0x7FC]  }
0x5f: {  	[sflag:s26] =	ssyncset.done $0x0  }
0x60: {  	s9 =	simm.s32 $0x200;
	[sflag:s26] =	ssyncadd.s32 $0xFFFFC000  }
0x61: {  	[hbm4b:s21+s3] =	stream.linear.scatter [tilespmem:s9], [sflag:$0x7], $0x4000, $0x38;
	[tilespmem:$0x18200] =	vst v63  }
0x62: {  	v3 =	vld [tilespmem:$0x20];
	_ =	sdelay $0x4  }
0x63: {  	v34 =	vshll.u32 v3, $0x3  }
0x64: {  	v3 =	vand.u32 $0x7, v3;
	v4 =	vand.u32 $0xFFFFFFC0, v34  }
0x65: {  	v3 =	vor.u32 v3, v4  }
0x66: {  	v4 =	vperm.xlane v3, v0;
	_ =	sdelay $0x1  }
0x67: {  	v4 =	vadd.s32 v1, v4;
	_ =	sdelay $0x3  }
0x68: {  	s22 =	simm.s32 $0x8200  }
0x69: {  	[tilespmem:s22], [sflag:$0x3] =	stream.indirect_vreg.gather [hbm4b:s2+s3], $0x80, v4, vm0, $0xb8;
	[tilespmem:$0x18200] =	vst v63  }
0x6a: {  	s23 =	simm.s32 $0x8A00;
	v3 =	vperm.xlane v3, v2  }
0x6b: {  	[tilespmem:s23], [sflag:$0x3] =	stream.indirect_vreg.gather [hbm4b:s5+s3], $0x80, v4, vm0, $0xb8;
	[tilespmem:$0x18200] =	vst v63  }
0x6c: {  	s25 =	simm.s32 $0x9200;
	v3 =	vadd.s32 v1, v3  }
0x6d: {  	[tilespmem:s25], [sflag:$0x3] =	stream.indirect_vreg.gather [hbm4b:s6+s3], $0x80, v4, vm0, $0xb8;
	[tilespmem:$0x18200] =	vst v63  }
0x6e: {  	s28 =	simm.s32 $0x9A00  }
0x6f: {  	[tilespmem:s28], [sflag:$0x3] =	stream.indirect_vreg.gather [hbm4b:s7+s3], $0x80, v4, vm0, $0xb8;
	[tilespmem:$0x18200] =	vst v63  }
0x70: {  	s30 =	simm.s32 $0xA200  }
0x71: {  	[tilespmem:s30], [sflag:$0x3] =	stream.indirect_vreg.gather [hbm4b:s2+s3], $0x80, v3, vm0, $0xb8;
	[tilespmem:$0x18200] =	vst v63  }
0x72: {  	s9 =	simm.s32 $0xAA00  }
0x73: {  	[tilespmem:s9], [sflag:$0x3] =	stream.indirect_vreg.gather [hbm4b:s5+s3], $0x80, v3, vm0, $0xb8;
	[tilespmem:$0x18200] =	vst v63  }
0x74: {  	s19 =	simm.s32 $0xB200  }
0x75: {  	[tilespmem:s19], [sflag:$0x3] =	stream.indirect_vreg.gather [hbm4b:s6+s3], $0x80, v3, vm0, $0xb8;
	[tilespmem:$0x18200] =	vst v63  }
0x76: {  	s21 =	simm.s32 $0xBA00  }
0x77: {  	[tilespmem:s21], [sflag:$0x3] =	stream.indirect_vreg.gather [hbm4b:s7+s3], $0x80, v3, vm0, $0xb8;
	[tilespmem:$0x18200] =	vst v63  }
0x78: {  	_ =	swait.ge [sflag:s29], $0x4000  }
0x79: {  	[sflag:s29] =	ssyncset.done $0x0  }
0x7a: {  	s0 =	simm.s32 $0x4200;
	s22 =	rddreg [dreg:$0x5];
	[sflag:s29] =	ssyncadd.s32 $0xFFFFC000  }
0x7b: {  	[hbm4b:s22+s3] =	stream.linear.scatter [tilespmem:s0], [sflag:$0x8], $0x4000, $0x38;
	[tilespmem:$0x18200] =	vst v63  }
0x7c: {  	v3 =	vld [tilespmem:$0x30];
	_ =	sdelay $0x4  }
0x7d: {  	v35 =	vshll.u32 v3, $0x3  }
0x7e: {  	v3 =	vand.u32 $0x7, v3;
	v4 =	vand.u32 $0xFFFFFFC0, v35  }
0x7f: {  	v3 =	vor.u32 v3, v4  }
0x80: {  	v4 =	vperm.xlane v3, v0;
	_ =	sdelay $0x1  }
0x81: {  	v4 =	vadd.s32 v1, v4;
	_ =	sdelay $0x3  }
0x82: {  	s23 =	simm.s32 $0xC200  }
0x83: {  	[tilespmem:s23], [sflag:$0x4] =	stream.indirect_vreg.gather [hbm4b:s2+s3], $0x80, v4, vm0, $0xb8;
	[tilespmem:$0x18200] =	vst v63  }
0x84: {  	s28 =	simm.s32 $0xCA00;
	v3 =	vperm.xlane v3, v2  }
0x85: {  	[tilespmem:s28], [sflag:$0x4] =	stream.indirect_vreg.gather [hbm4b:s5+s3], $0x80, v4, vm0, $0xb8;
	[tilespmem:$0x18200] =	vst v63  }
0x86: {  	s19 =	simm.s32 $0xD200;
	v3 =	vadd.s32 v1, v3  }
0x87: {  	[tilespmem:s19], [sflag:$0x4] =	stream.indirect_vreg.gather [hbm4b:s6+s3], $0x80, v4, vm0, $0xb8;
	[tilespmem:$0x18200] =	vst v63  }
0x88: {  	s21 =	simm.s32 $0xDA00  }
0x89: {  	[tilespmem:s21], [sflag:$0x4] =	stream.indirect_vreg.gather [hbm4b:s7+s3], $0x80, v4, vm0, $0xb8;
	[tilespmem:$0x18200] =	vst v63  }
0x8a: {  	s22 =	simm.s32 $0xE200  }
0x8b: {  	[tilespmem:s22], [sflag:$0x4] =	stream.indirect_vreg.gather [hbm4b:s2+s3], $0x80, v3, vm0, $0xb8;
	[tilespmem:$0x18200] =	vst v63  }
0x8c: {  	s23 =	simm.s32 $0xEA00  }
0x8d: {  	[tilespmem:s23], [sflag:$0x4] =	stream.indirect_vreg.gather [hbm4b:s5+s3], $0x80, v3, vm0, $0xb8;
	[tilespmem:$0x18200] =	vst v63  }
0x8e: {  	s28 =	simm.s32 $0xF200  }
0x8f: {  	[tilespmem:s28], [sflag:$0x4] =	stream.indirect_vreg.gather [hbm4b:s6+s3], $0x80, v3, vm0, $0xb8;
	[tilespmem:$0x18200] =	vst v63  }
0x90: {  	s19 =	simm.s32 $0xFA00  }
0x91: {  	[tilespmem:s19], [sflag:$0x4] =	stream.indirect_vreg.gather [hbm4b:s7+s3], $0x80, v3, vm0, $0xb8;
	[tilespmem:$0x18200] =	vst v63  }
0x92: {  	_ =	swait.ge [sflag:s18], $0x4000  }
0x93: {  	[sflag:s18] =	ssyncset.done $0x0  }
0x94: {  	s10 =	simm.s32 $0x8200;
	s21 =	rddreg [dreg:$0x6];
	[sflag:s18] =	ssyncadd.s32 $0xFFFFC000  }
0x95: {  	[hbm4b:s21+s3] =	stream.linear.scatter [tilespmem:s10], [sflag:$0x9], $0x4000, $0x38;
	[tilespmem:$0x18200] =	vst v63  }
0x96: {  	v3 =	vld [tilespmem:$0x40];
	_ =	sdelay $0x4  }
0x97: {  	v36 =	vshll.u32 v3, $0x3  }
0x98: {  	v3 =	vand.u32 $0x7, v3;
	v4 =	vand.u32 $0xFFFFFFC0, v36  }
0x99: {  	v3 =	vor.u32 v3, v4  }
0x9a: {  	v4 =	vperm.xlane v3, v0;
	_ =	sdelay $0x1  }
0x9b: {  	v4 =	vadd.s32 v1, v4;
	_ =	sdelay $0x3  }
0x9c: {  	s22 =	simm.s32 $0x10200  }
0x9d: {  	[tilespmem:s22], [sflag:$0x5] =	stream.indirect_vreg.gather [hbm4b:s2+s3], $0x80, v4, vm0, $0xb8;
	[tilespmem:$0x18200] =	vst v63  }
0x9e: {  	s23 =	simm.s32 $0x10A00;
	v3 =	vperm.xlane v3, v2  }
0x9f: {  	[tilespmem:s23], [sflag:$0x5] =	stream.indirect_vreg.gather [hbm4b:s5+s3], $0x80, v4, vm0, $0xb8;
	[tilespmem:$0x18200] =	vst v63  }
0xa0: {  	s28 =	simm.s32 $0x11200;
	v3 =	vadd.s32 v1, v3  }
0xa1: {  	[tilespmem:s28], [sflag:$0x5] =	stream.indirect_vreg.gather [hbm4b:s6+s3], $0x80, v4, vm0, $0xb8;
	[tilespmem:$0x18200] =	vst v63  }
0xa2: {  	s19 =	simm.s32 $0x11A00  }
0xa3: {  	[tilespmem:s19], [sflag:$0x5] =	stream.indirect_vreg.gather [hbm4b:s7+s3], $0x80, v4, vm0, $0xb8;
	[tilespmem:$0x18200] =	vst v63  }
0xa4: {  	s21 =	simm.s32 $0x12200  }
0xa5: {  	[tilespmem:s21], [sflag:$0x5] =	stream.indirect_vreg.gather [hbm4b:s2+s3], $0x80, v3, vm0, $0xb8;
	[tilespmem:$0x18200] =	vst v63  }
0xa6: {  	s22 =	simm.s32 $0x12A00  }
0xa7: {  	[tilespmem:s22], [sflag:$0x5] =	stream.indirect_vreg.gather [hbm4b:s5+s3], $0x80, v3, vm0, $0xb8;
	[tilespmem:$0x18200] =	vst v63  }
0xa8: {  	s23 =	simm.s32 $0x13200  }
0xa9: {  	[tilespmem:s23], [sflag:$0x5] =	stream.indirect_vreg.gather [hbm4b:s6+s3], $0x80, v3, vm0, $0xb8;
	[tilespmem:$0x18200] =	vst v63  }
0xaa: {  	s28 =	simm.s32 $0x13A00  }
0xab: {  	[tilespmem:s28], [sflag:$0x5] =	stream.indirect_vreg.gather [hbm4b:s7+s3], $0x80, v3, vm0, $0xb8;
	[tilespmem:$0x18200] =	vst v63  }
0xac: {  	_ =	swait.ge [sflag:s31], $0x4000  }
0xad: {  	[sflag:s31] =	ssyncset.done $0x0  }
0xae: {  	s0 =	simm.s32 $0xC200;
	s10 =	rddreg [dreg:$0x7];
	[sflag:s31] =	ssyncadd.s32 $0xFFFFC000  }
0xaf: {  	[hbm4b:s10+s3] =	stream.linear.scatter [tilespmem:s0], [sflag:$0xA], $0x4000, $0x38;
	[tilespmem:$0x18200] =	vst v63  }
0xb0: {  	v3 =	vld [tilespmem:$0x50];
	_ =	sdelay $0x4  }
0xb1: {  	v37 =	vshll.u32 v3, $0x3  }
0xb2: {  	v3 =	vand.u32 $0x7, v3;
	v4 =	vand.u32 $0xFFFFFFC0, v37  }
0xb3: {  	v3 =	vor.u32 v3, v4  }
0xb4: {  	v4 =	vperm.xlane v3, v0;
	_ =	sdelay $0x1  }
0xb5: {  	v4 =	vadd.s32 v1, v4;
	_ =	sdelay $0x3  }
0xb6: {  	s21 =	simm.s32 $0x14200  }
0xb7: {  	[tilespmem:s21], [sflag:$0x6] =	stream.indirect_vreg.gather [hbm4b:s2+s3], $0x80, v4, vm0, $0xb8;
	[tilespmem:$0x18200] =	vst v63  }
0xb8: {  	s22 =	simm.s32 $0x14A00;
	v3 =	vperm.xlane v3, v2  }
0xb9: {  	[tilespmem:s22], [sflag:$0x6] =	stream.indirect_vreg.gather [hbm4b:s5+s3], $0x80, v4, vm0, $0xb8;
	[tilespmem:$0x18200] =	vst v63  }
0xba: {  	s23 =	simm.s32 $0x15200;
	v3 =	vadd.s32 v1, v3  }
0xbb: {  	[tilespmem:s23], [sflag:$0x6] =	stream.indirect_vreg.gather [hbm4b:s6+s3], $0x80, v4, vm0, $0xb8;
	[tilespmem:$0x18200] =	vst v63  }
0xbc: {  	s28 =	simm.s32 $0x15A00  }
0xbd: {  	[tilespmem:s28], [sflag:$0x6] =	stream.indirect_vreg.gather [hbm4b:s7+s3], $0x80, v4, vm0, $0xb8;
	[tilespmem:$0x18200] =	vst v63  }
0xbe: {  	s10 =	simm.s32 $0x16200  }
0xbf: {  	[tilespmem:s10], [sflag:$0x6] =	stream.indirect_vreg.gather [hbm4b:s2+s3], $0x80, v3, vm0, $0xb8;
	[tilespmem:$0x18200] =	vst v63  }
0xc0: {  	s21 =	simm.s32 $0x16A00  }
0xc1: {  	[tilespmem:s21], [sflag:$0x6] =	stream.indirect_vreg.gather [hbm4b:s5+s3], $0x80, v3, vm0, $0xb8;
	[tilespmem:$0x18200] =	vst v63  }
0xc2: {  	s22 =	simm.s32 $0x17200  }
0xc3: {  	[tilespmem:s22], [sflag:$0x6] =	stream.indirect_vreg.gather [hbm4b:s6+s3], $0x80, v3, vm0, $0xb8;
	[tilespmem:$0x18200] =	vst v63  }
0xc4: {  	s23 =	simm.s32 $0x17A00  }
0xc5: {  	[tilespmem:s23], [sflag:$0x6] =	stream.indirect_vreg.gather [hbm4b:s7+s3], $0x80, v3, vm0, $0xb8;
	[tilespmem:$0x18200] =	vst v63  }
0xc6: {  	_ =	swait.ge [sflag:s4], $0x4000  }
0xc7: {  	[sflag:s4] =	ssyncset.done $0x0  }
0xc8: {  	s1 =	simm.s32 $0x10200;
	s28 =	rddreg [dreg:$0x8];
	[sflag:s4] =	ssyncadd.s32 $0xFFFFC000  }
0xc9: {  	[hbm4b:s28+s3] =	stream.linear.scatter [tilespmem:s1], [sflag:$0xB], $0x4000, $0x38;
	[tilespmem:$0x18200] =	vst v63  }
0xca: {  	_ =	swait.ge [sflag:s11], $0x4000  }
0xcb: {  	[sflag:s11] =	ssyncset.done $0x0  }
0xcc: {  	[sflag:s11] =	ssyncadd.s32 $0xFFFFC000  }
0xcd: {  	v3 =	vld [tilespmem:$0x60];
	_ =	sdelay $0x4  }
0xce: {  	v38 =	vshll.u32 v3, $0x3  }
0xcf: {  	v3 =	vand.u32 $0x7, v3;
	v4 =	vand.u32 $0xFFFFFFC0, v38  }
0xd0: {  	v3 =	vor.u32 v3, v4  }
0xd1: {  	v4 =	vperm.xlane v3, v0;
	_ =	sdelay $0x1  }
0xd2: {  	v4 =	vadd.s32 v1, v4;
	_ =	sdelay $0x3  }
0xd3: {  	s1 =	simm.s32 $0x200  }
0xd4: {  	[tilespmem:s1], [sflag:$0x1] =	stream.indirect_vreg.gather [hbm4b:s2+s3], $0x80, v4, vm0, $0xb8;
	[tilespmem:$0x18200] =	vst v63  }
0xd5: {  	s20 =	simm.s32 $0xA00;
	v3 =	vperm.xlane v3, v2  }
0xd6: {  	[tilespmem:s20], [sflag:$0x1] =	stream.indirect_vreg.gather [hbm4b:s5+s3], $0x80, v4, vm0, $0xb8;
	[tilespmem:$0x18200] =	vst v63  }
0xd7: {  	v3 =	vadd.s32 v1, v3;
	s20 =	simm.s32 $0x1200  }
0xd8: {  	[tilespmem:s20], [sflag:$0x1] =	stream.indirect_vreg.gather [hbm4b:s6+s3], $0x80, v4, vm0, $0xb8;
	[tilespmem:$0x18200] =	vst v63  }
0xd9: {  	s21 =	simm.s32 $0x1A00  }
0xda: {  	[tilespmem:s21], [sflag:$0x1] =	stream.indirect_vreg.gather [hbm4b:s7+s3], $0x80, v4, vm0, $0xb8;
	[tilespmem:$0x18200] =	vst v63  }
0xdb: {  	s22 =	simm.s32 $0x2200  }
0xdc: {  	[tilespmem:s22], [sflag:$0x1] =	stream.indirect_vreg.gather [hbm4b:s2+s3], $0x80, v3, vm0, $0xb8;
	[tilespmem:$0x18200] =	vst v63  }
0xdd: {  	s23 =	simm.s32 $0x2A00  }
0xde: {  	[tilespmem:s23], [sflag:$0x1] =	stream.indirect_vreg.gather [hbm4b:s5+s3], $0x80, v3, vm0, $0xb8;
	[tilespmem:$0x18200] =	vst v63  }
0xdf: {  	s28 =	simm.s32 $0x3200  }
0xe0: {  	[tilespmem:s28], [sflag:$0x1] =	stream.indirect_vreg.gather [hbm4b:s6+s3], $0x80, v3, vm0, $0xb8;
	[tilespmem:$0x18200] =	vst v63  }
0xe1: {  	s24 =	simm.s32 $0x3A00  }
0xe2: {  	[tilespmem:s24], [sflag:$0x1] =	stream.indirect_vreg.gather [hbm4b:s7+s3], $0x80, v3, vm0, $0xb8;
	[tilespmem:$0x18200] =	vst v63  }
0xe3: {  	_ =	swait.ge [sflag:s12], $0x4000  }
0xe4: {  	[sflag:s12] =	ssyncset.done $0x0  }
0xe5: {  	s0 =	simm.s32 $0x14200;
	s10 =	rddreg [dreg:$0x9];
	[sflag:s12] =	ssyncadd.s32 $0xFFFFC000  }
0xe6: {  	[hbm4b:s10+s3] =	stream.linear.scatter [tilespmem:s0], [sflag:$0xC], $0x4000, $0x38;
	[tilespmem:$0x18200] =	vst v63  }
0xe7: {  	_ =	swait.ge [sflag:s13], $0x4000  }
0xe8: {  	[sflag:s13] =	ssyncset.done $0x0  }
0xe9: {  	[sflag:s13] =	ssyncadd.s32 $0xFFFFC000  }
0xea: {  	v3 =	vld [tilespmem:$0x70];
	_ =	sdelay $0x4  }
0xeb: {  	v39 =	vshll.u32 v3, $0x3  }
0xec: {  	v3 =	vand.u32 $0x7, v3;
	v4 =	vand.u32 $0xFFFFFFC0, v39  }
0xed: {  	v3 =	vor.u32 v3, v4  }
0xee: {  	v4 =	vperm.xlane v3, v0;
	_ =	sdelay $0x1  }
0xef: {  	v4 =	vadd.s32 v1, v4;
	_ =	sdelay $0x3  }
0xf0: {  	s0 =	simm.s32 $0x4200  }
0xf1: {  	[tilespmem:s0], [sflag:$0x2] =	stream.indirect_vreg.gather [hbm4b:s2+s3], $0x80, v4, vm0, $0xb8;
	[tilespmem:$0x18200] =	vst v63  }
0xf2: {  	s24 =	simm.s32 $0x4A00;
	v3 =	vperm.xlane v3, v2  }
0xf3: {  	[tilespmem:s24], [sflag:$0x2] =	stream.indirect_vreg.gather [hbm4b:s5+s3], $0x80, v4, vm0, $0xb8;
	[tilespmem:$0x18200] =	vst v63  }
0xf4: {  	s19 =	simm.s32 $0x5200;
	v3 =	vadd.s32 v1, v3  }
0xf5: {  	[tilespmem:s19], [sflag:$0x2] =	stream.indirect_vreg.gather [hbm4b:s6+s3], $0x80, v4, vm0, $0xb8;
	[tilespmem:$0x18200] =	vst v63  }
0xf6: {  	s24 =	simm.s32 $0x5A00  }
0xf7: {  	[tilespmem:s24], [sflag:$0x2] =	stream.indirect_vreg.gather [hbm4b:s7+s3], $0x80, v4, vm0, $0xb8;
	[tilespmem:$0x18200] =	vst v63  }
0xf8: {  	s19 =	simm.s32 $0x6200  }
0xf9: {  	[tilespmem:s19], [sflag:$0x2] =	stream.indirect_vreg.gather [hbm4b:s2+s3], $0x80, v3, vm0, $0xb8;
	[tilespmem:$0x18200] =	vst v63  }
0xfa: {  	s24 =	simm.s32 $0x6A00  }
0xfb: {  	[tilespmem:s24], [sflag:$0x2] =	stream.indirect_vreg.gather [hbm4b:s5+s3], $0x80, v3, vm0, $0xb8;
	[tilespmem:$0x18200] =	vst v63  }
0xfc: {  	s19 =	simm.s32 $0x7200  }
0xfd: {  	[tilespmem:s19], [sflag:$0x2] =	stream.indirect_vreg.gather [hbm4b:s6+s3], $0x80, v3, vm0, $0xb8;
	[tilespmem:$0x18200] =	vst v63  }
0xfe: {  	s24 =	simm.s32 $0x7A00  }
0xff: {  	[tilespmem:s24], [sflag:$0x2] =	stream.indirect_vreg.gather [hbm4b:s7+s3], $0x80, v3, vm0, $0xb8;
	[tilespmem:$0x18200] =	vst v63  }
0x100: {  	_ =	swait.ge [sflag:s26], $0x4000  }
0x101: {  	[sflag:s26] =	ssyncset.done $0x0  }
0x102: {  	s10 =	rddreg [dreg:$0xa];
	[sflag:s26] =	ssyncadd.s32 $0xFFFFC000  }
0x103: {  	[hbm4b:s10+s3] =	stream.linear.scatter [tilespmem:s1], [sflag:$0x7], $0x4000, $0x38;
	[tilespmem:$0x18200] =	vst v63  }
0x104: {  	_ =	swait.ge [sflag:s14], $0x4000  }
0x105: {  	[sflag:s14] =	ssyncset.done $0x0  }
0x106: {  	[sflag:s14] =	ssyncadd.s32 $0xFFFFC000  }
0x107: {  	v3 =	vld [tilespmem:$0x80];
	_ =	sdelay $0x4  }
0x108: {  	v40 =	vshll.u32 v3, $0x3  }
0x109: {  	v3 =	vand.u32 $0x7, v3;
	v4 =	vand.u32 $0xFFFFFFC0, v40  }
0x10a: {  	v3 =	vor.u32 v3, v4  }
0x10b: {  	v4 =	vperm.xlane v3, v0;
	_ =	sdelay $0x1  }
0x10c: {  	v4 =	vadd.s32 v1, v4;
	_ =	sdelay $0x3  }
0x10d: {  	s10 =	simm.s32 $0x8200  }
0x10e: {  	[tilespmem:s10], [sflag:$0x3] =	stream.indirect_vreg.gather [hbm4b:s2+s3], $0x80, v4, vm0, $0xb8;
	[tilespmem:$0x18200] =	vst v63  }
0x10f: {  	s8 =	simm.s32 $0x8A00;
	v3 =	vperm.xlane v3, v2  }
0x110: {  	[tilespmem:s8], [sflag:$0x3] =	stream.indirect_vreg.gather [hbm4b:s5+s3], $0x80, v4, vm0, $0xb8;
	[tilespmem:$0x18200] =	vst v63  }
0x111: {  	s19 =	simm.s32 $0x9200;
	v3 =	vadd.s32 v1, v3  }
0x112: {  	[tilespmem:s19], [sflag:$0x3] =	stream.indirect_vreg.gather [hbm4b:s6+s3], $0x80, v4, vm0, $0xb8;
	[tilespmem:$0x18200] =	vst v63  }
0x113: {  	s24 =	simm.s32 $0x9A00  }
0x114: {  	[tilespmem:s24], [sflag:$0x3] =	stream.indirect_vreg.gather [hbm4b:s7+s3], $0x80, v4, vm0, $0xb8;
	[tilespmem:$0x18200] =	vst v63  }
0x115: {  	s25 =	simm.s32 $0xA200  }
0x116: {  	[tilespmem:s25], [sflag:$0x3] =	stream.indirect_vreg.gather [hbm4b:s2+s3], $0x80, v3, vm0, $0xb8;
	[tilespmem:$0x18200] =	vst v63  }
0x117: {  	s30 =	simm.s32 $0xAA00  }
0x118: {  	[tilespmem:s30], [sflag:$0x3] =	stream.indirect_vreg.gather [hbm4b:s5+s3], $0x80, v3, vm0, $0xb8;
	[tilespmem:$0x18200] =	vst v63  }
0x119: {  	s8 =	simm.s32 $0xB200  }
0x11a: {  	[tilespmem:s8], [sflag:$0x3] =	stream.indirect_vreg.gather [hbm4b:s6+s3], $0x80, v3, vm0, $0xb8;
	[tilespmem:$0x18200] =	vst v63  }
0x11b: {  	s9 =	simm.s32 $0xBA00  }
0x11c: {  	[tilespmem:s9], [sflag:$0x3] =	stream.indirect_vreg.gather [hbm4b:s7+s3], $0x80, v3, vm0, $0xb8;
	[tilespmem:$0x18200] =	vst v63  }
0x11d: {  	_ =	swait.ge [sflag:s29], $0x4000  }
0x11e: {  	[sflag:s29] =	ssyncset.done $0x0  }
0x11f: {  	s9 =	rddreg [dreg:$0xb];
	[sflag:s29] =	ssyncadd.s32 $0xFFFFC000  }
0x120: {  	[hbm4b:s9+s3] =	stream.linear.scatter [tilespmem:s0], [sflag:$0x8], $0x4000, $0x38;
	[tilespmem:$0x18200] =	vst v63  }
0x121: {  	_ =	swait.ge [sflag:s15], $0x4000  }
0x122: {  	[sflag:s15] =	ssyncset.done $0x0  }
0x123: {  	[sflag:s15] =	ssyncadd.s32 $0xFFFFC000  }
0x124: {  	v3 =	vld [tilespmem:$0x90];
	_ =	sdelay $0x4  }
0x125: {  	v41 =	vshll.u32 v3, $0x3  }
0x126: {  	v3 =	vand.u32 $0x7, v3;
	v4 =	vand.u32 $0xFFFFFFC0, v41  }
0x127: {  	v3 =	vor.u32 v3, v4  }
0x128: {  	v4 =	vperm.xlane v3, v0;
	_ =	sdelay $0x1  }
0x129: {  	v4 =	vadd.s32 v1, v4;
	_ =	sdelay $0x3  }
0x12a: {  	s1 =	simm.s32 $0xC200  }
0x12b: {  	[tilespmem:s1], [sflag:$0x4] =	stream.indirect_vreg.gather [hbm4b:s2+s3], $0x80, v4, vm0, $0xb8;
	[tilespmem:$0x18200] =	vst v63  }
0x12c: {  	s24 =	simm.s32 $0xCA00;
	v3 =	vperm.xlane v3, v2  }
0x12d: {  	[tilespmem:s24], [sflag:$0x4] =	stream.indirect_vreg.gather [hbm4b:s5+s3], $0x80, v4, vm0, $0xb8;
	[tilespmem:$0x18200] =	vst v63  }
0x12e: {  	s25 =	simm.s32 $0xD200;
	v3 =	vadd.s32 v1, v3  }
0x12f: {  	[tilespmem:s25], [sflag:$0x4] =	stream.indirect_vreg.gather [hbm4b:s6+s3], $0x80, v4, vm0, $0xb8;
	[tilespmem:$0x18200] =	vst v63  }
0x130: {  	s30 =	simm.s32 $0xDA00  }
0x131: {  	[tilespmem:s30], [sflag:$0x4] =	stream.indirect_vreg.gather [hbm4b:s7+s3], $0x80, v4, vm0, $0xb8;
	[tilespmem:$0x18200] =	vst v63  }
0x132: {  	s8 =	simm.s32 $0xE200  }
0x133: {  	[tilespmem:s8], [sflag:$0x4] =	stream.indirect_vreg.gather [hbm4b:s2+s3], $0x80, v3, vm0, $0xb8;
	[tilespmem:$0x18200] =	vst v63  }
0x134: {  	s30 =	simm.s32 $0xEA00  }
0x135: {  	[tilespmem:s30], [sflag:$0x4] =	stream.indirect_vreg.gather [hbm4b:s5+s3], $0x80, v3, vm0, $0xb8;
	[tilespmem:$0x18200] =	vst v63  }
0x136: {  	s9 =	simm.s32 $0xF200  }
0x137: {  	[tilespmem:s9], [sflag:$0x4] =	stream.indirect_vreg.gather [hbm4b:s6+s3], $0x80, v3, vm0, $0xb8;
	[tilespmem:$0x18200] =	vst v63  }
0x138: {  	s19 =	simm.s32 $0xFA00  }
0x139: {  	[tilespmem:s19], [sflag:$0x4] =	stream.indirect_vreg.gather [hbm4b:s7+s3], $0x80, v3, vm0, $0xb8;
	[tilespmem:$0x18200] =	vst v63  }
0x13a: {  	_ =	swait.ge [sflag:s18], $0x4000  }
0x13b: {  	[sflag:s18] =	ssyncset.done $0x0  }
0x13c: {  	s24 =	rddreg [dreg:$0xc];
	[sflag:s18] =	ssyncadd.s32 $0xFFFFC000  }
0x13d: {  	[hbm4b:s24+s3] =	stream.linear.scatter [tilespmem:s10], [sflag:$0x9], $0x4000, $0x38;
	[tilespmem:$0x18200] =	vst v63  }
0x13e: {  	_ =	swait.ge [sflag:s16], $0x4000  }
0x13f: {  	[sflag:s16] =	ssyncset.done $0x0  }
0x140: {  	[sflag:s16] =	ssyncadd.s32 $0xFFFFC000  }
0x141: {  	v3 =	vld [tilespmem:$0xA0];
	_ =	sdelay $0x4  }
0x142: {  	v42 =	vshll.u32 v3, $0x3  }
0x143: {  	v3 =	vand.u32 $0x7, v3;
	v4 =	vand.u32 $0xFFFFFFC0, v42  }
0x144: {  	v3 =	vor.u32 v3, v4  }
0x145: {  	v4 =	vperm.xlane v3, v0;
	_ =	sdelay $0x1  }
0x146: {  	v4 =	vadd.s32 v1, v4;
	_ =	sdelay $0x3  }
0x147: {  	s0 =	simm.s32 $0x10200  }
0x148: {  	[tilespmem:s0], [sflag:$0x5] =	stream.indirect_vreg.gather [hbm4b:s2+s3], $0x80, v4, vm0, $0xb8;
	[tilespmem:$0x18200] =	vst v63  }
0x149: {  	s25 =	simm.s32 $0x10A00;
	v3 =	vperm.xlane v3, v2  }
0x14a: {  	[tilespmem:s25], [sflag:$0x5] =	stream.indirect_vreg.gather [hbm4b:s5+s3], $0x80, v4, vm0, $0xb8;
	[tilespmem:$0x18200] =	vst v63  }
0x14b: {  	s24 =	simm.s32 $0x11200;
	v3 =	vadd.s32 v1, v3  }
0x14c: {  	[tilespmem:s24], [sflag:$0x5] =	stream.indirect_vreg.gather [hbm4b:s6+s3], $0x80, v4, vm0, $0xb8;
	[tilespmem:$0x18200] =	vst v63  }
0x14d: {  	s25 =	simm.s32 $0x11A00  }
0x14e: {  	[tilespmem:s25], [sflag:$0x5] =	stream.indirect_vreg.gather [hbm4b:s7+s3], $0x80, v4, vm0, $0xb8;
	[tilespmem:$0x18200] =	vst v63  }
0x14f: {  	s9 =	simm.s32 $0x12200  }
0x150: {  	[tilespmem:s9], [sflag:$0x5] =	stream.indirect_vreg.gather [hbm4b:s2+s3], $0x80, v3, vm0, $0xb8;
	[tilespmem:$0x18200] =	vst v63  }
0x151: {  	s10 =	simm.s32 $0x12A00  }
0x152: {  	[tilespmem:s10], [sflag:$0x5] =	stream.indirect_vreg.gather [hbm4b:s5+s3], $0x80, v3, vm0, $0xb8;
	[tilespmem:$0x18200] =	vst v63  }
0x153: {  	s19 =	simm.s32 $0x13200  }
0x154: {  	[tilespmem:s19], [sflag:$0x5] =	stream.indirect_vreg.gather [hbm4b:s6+s3], $0x80, v3, vm0, $0xb8;
	[tilespmem:$0x18200] =	vst v63  }
0x155: {  	s9 =	simm.s32 $0x13A00  }
0x156: {  	[tilespmem:s9], [sflag:$0x5] =	stream.indirect_vreg.gather [hbm4b:s7+s3], $0x80, v3, vm0, $0xb8;
	[tilespmem:$0x18200] =	vst v63  }
0x157: {  	_ =	swait.ge [sflag:s31], $0x4000  }
0x158: {  	[sflag:s31] =	ssyncset.done $0x0  }
0x159: {  	s10 =	rddreg [dreg:$0xd];
	[sflag:s31] =	ssyncadd.s32 $0xFFFFC000  }
0x15a: {  	[hbm4b:s10+s3] =	stream.linear.scatter [tilespmem:s1], [sflag:$0xA], $0x4000, $0x38;
	[tilespmem:$0x18200] =	vst v63  }
0x15b: {  	_ =	swait.ge [sflag:s17], $0x4000  }
0x15c: {  	[sflag:s17] =	ssyncset.done $0x0  }
0x15d: {  	[sflag:s17] =	ssyncadd.s32 $0xFFFFC000  }
0x15e: {  	v3 =	vld [tilespmem:$0xB0];
	_ =	sdelay $0x4  }
0x15f: {  	v43 =	vshll.u32 v3, $0x3  }
0x160: {  	v3 =	vand.u32 $0x7, v3;
	v4 =	vand.u32 $0xFFFFFFC0, v43  }
0x161: {  	v3 =	vor.u32 v3, v4  }
0x162: {  	v4 =	vperm.xlane v3, v0;
	_ =	sdelay $0x1  }
0x163: {  	v4 =	vadd.s32 v1, v4;
	_ =	sdelay $0x3  }
0x164: {  	s1 =	simm.s32 $0x14200  }
0x165: {  	[tilespmem:s1], [sflag:$0x6] =	stream.indirect_vreg.gather [hbm4b:s2+s3], $0x80, v4, vm0, $0xb8;
	[tilespmem:$0x18200] =	vst v63  }
0x166: {  	s19 =	simm.s32 $0x14A00;
	v3 =	vperm.xlane v3, v2  }
0x167: {  	[tilespmem:s19], [sflag:$0x6] =	stream.indirect_vreg.gather [hbm4b:s5+s3], $0x80, v4, vm0, $0xb8;
	[tilespmem:$0x18200] =	vst v63  }
0x168: {  	s10 =	simm.s32 $0x15200;
	v3 =	vadd.s32 v1, v3  }
0x169: {  	[tilespmem:s10], [sflag:$0x6] =	stream.indirect_vreg.gather [hbm4b:s6+s3], $0x80, v4, vm0, $0xb8;
	[tilespmem:$0x18200] =	vst v63  }
0x16a: {  	s19 =	simm.s32 $0x15A00  }
0x16b: {  	[tilespmem:s19], [sflag:$0x6] =	stream.indirect_vreg.gather [hbm4b:s7+s3], $0x80, v4, vm0, $0xb8;
	[tilespmem:$0x18200] =	vst v63  }
0x16c: {  	s10 =	simm.s32 $0x16200  }
0x16d: {  	[tilespmem:s10], [sflag:$0x6] =	stream.indirect_vreg.gather [hbm4b:s2+s3], $0x80, v3, vm0, $0xb8;
	[tilespmem:$0x18200] =	vst v63  }
0x16e: {  	s19 =	simm.s32 $0x16A00  }
0x16f: {  	[tilespmem:s19], [sflag:$0x6] =	stream.indirect_vreg.gather [hbm4b:s5+s3], $0x80, v3, vm0, $0xb8;
	[tilespmem:$0x18200] =	vst v63  }
0x170: {  	s10 =	simm.s32 $0x17200  }
0x171: {  	[tilespmem:s10], [sflag:$0x6] =	stream.indirect_vreg.gather [hbm4b:s6+s3], $0x80, v3, vm0, $0xb8;
	[tilespmem:$0x18200] =	vst v63  }
0x172: {  	s19 =	simm.s32 $0x17A00  }
0x173: {  	[tilespmem:s19], [sflag:$0x6] =	stream.indirect_vreg.gather [hbm4b:s7+s3], $0x80, v3, vm0, $0xb8;
	[tilespmem:$0x18200] =	vst v63  }
0x174: {  	_ =	swait.ge [sflag:s4], $0x4000  }
0x175: {  	[sflag:s4] =	ssyncset.done $0x0  }
0x176: {  	s10 =	rddreg [dreg:$0xe];
	[sflag:s4] =	ssyncadd.s32 $0xFFFFC000  }
0x177: {  	[hbm4b:s10+s3] =	stream.linear.scatter [tilespmem:s0], [sflag:$0xB], $0x4000, $0x38;
	[tilespmem:$0x18200] =	vst v63  }
0x178: {  	_ =	swait.ge [sflag:s11], $0x4000  }
0x179: {  	[sflag:s11] =	ssyncset.done $0x0  }
0x17a: {  	[sflag:s11] =	ssyncadd.s32 $0xFFFFC000  }
0x17b: {  	v3 =	vld [tilespmem:$0xC0];
	_ =	sdelay $0x4  }
0x17c: {  	v44 =	vshll.u32 v3, $0x3  }
0x17d: {  	v3 =	vand.u32 $0x7, v3;
	v4 =	vand.u32 $0xFFFFFFC0, v44  }
0x17e: {  	v3 =	vor.u32 v3, v4  }
0x17f: {  	v4 =	vperm.xlane v3, v0;
	_ =	sdelay $0x1  }
0x180: {  	v4 =	vadd.s32 v1, v4;
	_ =	sdelay $0x3  }
0x181: {  	s10 =	simm.s32 $0x200  }
0x182: {  	[tilespmem:s10], [sflag:$0x1] =	stream.indirect_vreg.gather [hbm4b:s2+s3], $0x80, v4, vm0, $0xb8;
	[tilespmem:$0x18200] =	vst v63  }
0x183: {  	s19 =	simm.s32 $0xA00;
	v3 =	vperm.xlane v3, v2  }
0x184: {  	[tilespmem:s19], [sflag:$0x1] =	stream.indirect_vreg.gather [hbm4b:s5+s3], $0x80, v4, vm0, $0xb8;
	[tilespmem:$0x18200] =	vst v63  }
0x185: {  	v3 =	vadd.s32 v1, v3  }
0x186: {  	[tilespmem:s20], [sflag:$0x1] =	stream.indirect_vreg.gather [hbm4b:s6+s3], $0x80, v4, vm0, $0xb8;
	[tilespmem:$0x18200] =	vst v63  }
0x187: {  	_ = 	snop  }
0x188: {  	[tilespmem:s21], [sflag:$0x1] =	stream.indirect_vreg.gather [hbm4b:s7+s3], $0x80, v4, vm0, $0xb8;
	[tilespmem:$0x18200] =	vst v63  }
0x189: {  	_ = 	snop  }
0x18a: {  	[tilespmem:s22], [sflag:$0x1] =	stream.indirect_vreg.gather [hbm4b:s2+s3], $0x80, v3, vm0, $0xb8;
	[tilespmem:$0x18200] =	vst v63  }
0x18b: {  	_ = 	snop  }
0x18c: {  	[tilespmem:s23], [sflag:$0x1] =	stream.indirect_vreg.gather [hbm4b:s5+s3], $0x80, v3, vm0, $0xb8;
	[tilespmem:$0x18200] =	vst v63  }
0x18d: {  	_ = 	snop  }
0x18e: {  	[tilespmem:s28], [sflag:$0x1] =	stream.indirect_vreg.gather [hbm4b:s6+s3], $0x80, v3, vm0, $0xb8;
	[tilespmem:$0x18200] =	vst v63  }
0x18f: {  	s22 =	simm.s32 $0x3A00  }
0x190: {  	[tilespmem:s22], [sflag:$0x1] =	stream.indirect_vreg.gather [hbm4b:s7+s3], $0x80, v3, vm0, $0xb8;
	[tilespmem:$0x18200] =	vst v63  }
0x191: {  	_ =	swait.ge [sflag:s12], $0x4000  }
0x192: {  	[sflag:s12] =	ssyncset.done $0x0  }
0x193: {  	s23 =	rddreg [dreg:$0xf];
	[sflag:s12] =	ssyncadd.s32 $0xFFFFC000  }
0x194: {  	[hbm4b:s23+s3] =	stream.linear.scatter [tilespmem:s1], [sflag:$0xC], $0x4000, $0x38;
	[tilespmem:$0x18200] =	vst v63  }
0x195: {  	_ =	swait.ge [sflag:s13], $0x4000  }
0x196: {  	[sflag:s13] =	ssyncset.done $0x0  }
0x197: {  	[sflag:s13] =	ssyncadd.s32 $0xFFFFC000  }
0x198: {  	v3 =	vld [tilespmem:$0xD0];
	_ =	sdelay $0x4  }
0x199: {  	v45 =	vshll.u32 v3, $0x3  }
0x19a: {  	v3 =	vand.u32 $0x7, v3;
	v4 =	vand.u32 $0xFFFFFFC0, v45  }
0x19b: {  	v3 =	vor.u32 v3, v4  }
0x19c: {  	v4 =	vperm.xlane v3, v0;
	_ =	sdelay $0x1  }
0x19d: {  	v4 =	vadd.s32 v1, v4;
	_ =	sdelay $0x3  }
0x19e: {  	s0 =	simm.s32 $0x4200  }
0x19f: {  	[tilespmem:s0], [sflag:$0x2] =	stream.indirect_vreg.gather [hbm4b:s2+s3], $0x80, v4, vm0, $0xb8;
	[tilespmem:$0x18200] =	vst v63  }
0x1a0: {  	s28 =	simm.s32 $0x4A00;
	v3 =	vperm.xlane v3, v2  }
0x1a1: {  	[tilespmem:s28], [sflag:$0x2] =	stream.indirect_vreg.gather [hbm4b:s5+s3], $0x80, v4, vm0, $0xb8;
	[tilespmem:$0x18200] =	vst v63  }
0x1a2: {  	s19 =	simm.s32 $0x5200;
	v3 =	vadd.s32 v1, v3  }
0x1a3: {  	[tilespmem:s19], [sflag:$0x2] =	stream.indirect_vreg.gather [hbm4b:s6+s3], $0x80, v4, vm0, $0xb8;
	[tilespmem:$0x18200] =	vst v63  }
0x1a4: {  	s20 =	simm.s32 $0x5A00  }
0x1a5: {  	[tilespmem:s20], [sflag:$0x2] =	stream.indirect_vreg.gather [hbm4b:s7+s3], $0x80, v4, vm0, $0xb8;
	[tilespmem:$0x18200] =	vst v63  }
0x1a6: {  	s21 =	simm.s32 $0x6200  }
0x1a7: {  	[tilespmem:s21], [sflag:$0x2] =	stream.indirect_vreg.gather [hbm4b:s2+s3], $0x80, v3, vm0, $0xb8;
	[tilespmem:$0x18200] =	vst v63  }
0x1a8: {  	s22 =	simm.s32 $0x6A00  }
0x1a9: {  	[tilespmem:s22], [sflag:$0x2] =	stream.indirect_vreg.gather [hbm4b:s5+s3], $0x80, v3, vm0, $0xb8;
	[tilespmem:$0x18200] =	vst v63  }
0x1aa: {  	s23 =	simm.s32 $0x7200  }
0x1ab: {  	[tilespmem:s23], [sflag:$0x2] =	stream.indirect_vreg.gather [hbm4b:s6+s3], $0x80, v3, vm0, $0xb8;
	[tilespmem:$0x18200] =	vst v63  }
0x1ac: {  	s28 =	simm.s32 $0x7A00  }
0x1ad: {  	[tilespmem:s28], [sflag:$0x2] =	stream.indirect_vreg.gather [hbm4b:s7+s3], $0x80, v3, vm0, $0xb8;
	[tilespmem:$0x18200] =	vst v63  }
0x1ae: {  	_ =	swait.ge [sflag:s26], $0x4000  }
0x1af: {  	[sflag:s26] =	ssyncset.done $0x0  }
0x1b0: {  	s1 =	rddreg [dreg:$0x10];
	[sflag:s26] =	ssyncadd.s32 $0xFFFFC000  }
0x1b1: {  	[hbm4b:s1+s3] =	stream.linear.scatter [tilespmem:s10], [sflag:$0x7], $0x4000, $0x38;
	[tilespmem:$0x18200] =	vst v63  }
0x1b2: {  	_ =	swait.ge [sflag:s14], $0x4000  }
0x1b3: {  	[sflag:s14] =	ssyncset.done $0x0  }
0x1b4: {  	[sflag:s14] =	ssyncadd.s32 $0xFFFFC000  }
0x1b5: {  	v3 =	vld [tilespmem:$0xE0];
	_ =	sdelay $0x4  }
0x1b6: {  	v46 =	vshll.u32 v3, $0x3  }
0x1b7: {  	v3 =	vand.u32 $0x7, v3;
	v4 =	vand.u32 $0xFFFFFFC0, v46  }
0x1b8: {  	v3 =	vor.u32 v3, v4  }
0x1b9: {  	v4 =	vperm.xlane v3, v0;
	_ =	sdelay $0x1  }
0x1ba: {  	v4 =	vadd.s32 v1, v4;
	_ =	sdelay $0x3  }
0x1bb: {  	s1 =	simm.s32 $0x8200  }
0x1bc: {  	[tilespmem:s1], [sflag:$0x3] =	stream.indirect_vreg.gather [hbm4b:s2+s3], $0x80, v4, vm0, $0xb8;
	[tilespmem:$0x18200] =	vst v63  }
0x1bd: {  	s20 =	simm.s32 $0x8A00;
	v3 =	vperm.xlane v3, v2  }
0x1be: {  	[tilespmem:s20], [sflag:$0x3] =	stream.indirect_vreg.gather [hbm4b:s5+s3], $0x80, v4, vm0, $0xb8;
	[tilespmem:$0x18200] =	vst v63  }
0x1bf: {  	v3 =	vadd.s32 v1, v3;
	s20 =	simm.s32 $0x9200  }
0x1c0: {  	[tilespmem:s20], [sflag:$0x3] =	stream.indirect_vreg.gather [hbm4b:s6+s3], $0x80, v4, vm0, $0xb8;
	[tilespmem:$0x18200] =	vst v63  }
0x1c1: {  	s22 =	simm.s32 $0x9A00  }
0x1c2: {  	[tilespmem:s22], [sflag:$0x3] =	stream.indirect_vreg.gather [hbm4b:s7+s3], $0x80, v4, vm0, $0xb8;
	[tilespmem:$0x18200] =	vst v63  }
0x1c3: {  	s23 =	simm.s32 $0xA200  }
0x1c4: {  	[tilespmem:s23], [sflag:$0x3] =	stream.indirect_vreg.gather [hbm4b:s2+s3], $0x80, v3, vm0, $0xb8;
	[tilespmem:$0x18200] =	vst v63  }
0x1c5: {  	s28 =	simm.s32 $0xAA00  }
0x1c6: {  	[tilespmem:s28], [sflag:$0x3] =	stream.indirect_vreg.gather [hbm4b:s5+s3], $0x80, v3, vm0, $0xb8;
	[tilespmem:$0x18200] =	vst v63  }
0x1c7: {  	s21 =	simm.s32 $0xB200  }
0x1c8: {  	[tilespmem:s21], [sflag:$0x3] =	stream.indirect_vreg.gather [hbm4b:s6+s3], $0x80, v3, vm0, $0xb8;
	[tilespmem:$0x18200] =	vst v63  }
0x1c9: {  	s21 =	simm.s32 $0xBA00  }
0x1ca: {  	[tilespmem:s21], [sflag:$0x3] =	stream.indirect_vreg.gather [hbm4b:s7+s3], $0x80, v3, vm0, $0xb8;
	[tilespmem:$0x18200] =	vst v63  }
0x1cb: {  	_ =	swait.ge [sflag:s29], $0x4000  }
0x1cc: {  	[sflag:s29] =	ssyncset.done $0x0  }
0x1cd: {  	s21 =	rddreg [dreg:$0x11];
	[sflag:s29] =	ssyncadd.s32 $0xFFFFC000  }
0x1ce: {  	[hbm4b:s21+s3] =	stream.linear.scatter [tilespmem:s0], [sflag:$0x8], $0x4000, $0x38;
	[tilespmem:$0x18200] =	vst v63  }
0x1cf: {  	_ =	swait.ge [sflag:s15], $0x4000  }
0x1d0: {  	[sflag:s15] =	ssyncset.done $0x0  }
0x1d1: {  	[sflag:s15] =	ssyncadd.s32 $0xFFFFC000  }
0x1d2: {  	v3 =	vld [tilespmem:$0xF0];
	_ =	sdelay $0x4  }
0x1d3: {  	v47 =	vshll.u32 v3, $0x3  }
0x1d4: {  	v3 =	vand.u32 $0x7, v3;
	v4 =	vand.u32 $0xFFFFFFC0, v47  }
0x1d5: {  	v3 =	vor.u32 v3, v4  }
0x1d6: {  	v4 =	vperm.xlane v3, v0;
	_ =	sdelay $0x1  }
0x1d7: {  	v4 =	vadd.s32 v1, v4;
	_ =	sdelay $0x3  }
0x1d8: {  	s8 =	simm.s32 $0xC200  }
0x1d9: {  	[tilespmem:s8], [sflag:$0x4] =	stream.indirect_vreg.gather [hbm4b:s2+s3], $0x80, v4, vm0, $0xb8;
	[tilespmem:$0x18200] =	vst v63  }
0x1da: {  	s21 =	simm.s32 $0xCA00;
	v3 =	vperm.xlane v3, v2  }
0x1db: {  	[tilespmem:s21], [sflag:$0x4] =	stream.indirect_vreg.gather [hbm4b:s5+s3], $0x80, v4, vm0, $0xb8;
	[tilespmem:$0x18200] =	vst v63  }
0x1dc: {  	s19 =	simm.s32 $0xD200;
	v3 =	vadd.s32 v1, v3  }
0x1dd: {  	[tilespmem:s19], [sflag:$0x4] =	stream.indirect_vreg.gather [hbm4b:s6+s3], $0x80, v4, vm0, $0xb8;
	[tilespmem:$0x18200] =	vst v63  }
0x1de: {  	s21 =	simm.s32 $0xDA00  }
0x1df: {  	[tilespmem:s21], [sflag:$0x4] =	stream.indirect_vreg.gather [hbm4b:s7+s3], $0x80, v4, vm0, $0xb8;
	[tilespmem:$0x18200] =	vst v63  }
0x1e0: {  	s19 =	simm.s32 $0xE200  }
0x1e1: {  	[tilespmem:s19], [sflag:$0x4] =	stream.indirect_vreg.gather [hbm4b:s2+s3], $0x80, v3, vm0, $0xb8;
	[tilespmem:$0x18200] =	vst v63  }
0x1e2: {  	_ = 	snop  }
0x1e3: {  	[tilespmem:s30], [sflag:$0x4] =	stream.indirect_vreg.gather [hbm4b:s5+s3], $0x80, v3, vm0, $0xb8;
	[tilespmem:$0x18200] =	vst v63  }
0x1e4: {  	s30 =	simm.s32 $0xF200  }
0x1e5: {  	[tilespmem:s30], [sflag:$0x4] =	stream.indirect_vreg.gather [hbm4b:s6+s3], $0x80, v3, vm0, $0xb8;
	[tilespmem:$0x18200] =	vst v63  }
0x1e6: {  	s21 =	simm.s32 $0xFA00  }
0x1e7: {  	[tilespmem:s21], [sflag:$0x4] =	stream.indirect_vreg.gather [hbm4b:s7+s3], $0x80, v3, vm0, $0xb8;
	[tilespmem:$0x18200] =	vst v63  }
0x1e8: {  	_ =	swait.ge [sflag:s18], $0x4000  }
0x1e9: {  	[sflag:s18] =	ssyncset.done $0x0  }
0x1ea: {  	s0 =	rddreg [dreg:$0x12];
	[sflag:s18] =	ssyncadd.s32 $0xFFFFC000  }
0x1eb: {  	[hbm4b:s0+s3] =	stream.linear.scatter [tilespmem:s1], [sflag:$0x9], $0x4000, $0x38;
	[tilespmem:$0x18200] =	vst v63  }
0x1ec: {  	_ =	swait.ge [sflag:s16], $0x4000  }
0x1ed: {  	[sflag:s16] =	ssyncset.done $0x0  }
0x1ee: {  	[sflag:s16] =	ssyncadd.s32 $0xFFFFC000  }
0x1ef: {  	v3 =	vld [tilespmem:$0x100];
	_ =	sdelay $0x4  }
0x1f0: {  	v48 =	vshll.u32 v3, $0x3  }
0x1f1: {  	v3 =	vand.u32 $0x7, v3;
	v4 =	vand.u32 $0xFFFFFFC0, v48  }
0x1f2: {  	v3 =	vor.u32 v3, v4  }
0x1f3: {  	v4 =	vperm.xlane v3, v0;
	_ =	sdelay $0x1  }
0x1f4: {  	v4 =	vadd.s32 v1, v4;
	_ =	sdelay $0x3  }
0x1f5: {  	s9 =	simm.s32 $0x10200  }
0x1f6: {  	[tilespmem:s9], [sflag:$0x5] =	stream.indirect_vreg.gather [hbm4b:s2+s3], $0x80, v4, vm0, $0xb8;
	[tilespmem:$0x18200] =	vst v63  }
0x1f7: {  	s19 =	simm.s32 $0x10A00;
	v3 =	vperm.xlane v3, v2  }
0x1f8: {  	[tilespmem:s19], [sflag:$0x5] =	stream.indirect_vreg.gather [hbm4b:s5+s3], $0x80, v4, vm0, $0xb8;
	[tilespmem:$0x18200] =	vst v63  }
0x1f9: {  	v3 =	vadd.s32 v1, v3  }
0x1fa: {  	[tilespmem:s24], [sflag:$0x5] =	stream.indirect_vreg.gather [hbm4b:s6+s3], $0x80, v4, vm0, $0xb8;
	[tilespmem:$0x18200] =	vst v63  }
0x1fb: {  	_ = 	snop  }
0x1fc: {  	[tilespmem:s25], [sflag:$0x5] =	stream.indirect_vreg.gather [hbm4b:s7+s3], $0x80, v4, vm0, $0xb8;
	[tilespmem:$0x18200] =	vst v63  }
0x1fd: {  	s21 =	simm.s32 $0x12200  }
0x1fe: {  	[tilespmem:s21], [sflag:$0x5] =	stream.indirect_vreg.gather [hbm4b:s2+s3], $0x80, v3, vm0, $0xb8;
	[tilespmem:$0x18200] =	vst v63  }
0x1ff: {  	s24 =	simm.s32 $0x12A00  }
0x200: {  	[tilespmem:s24], [sflag:$0x5] =	stream.indirect_vreg.gather [hbm4b:s5+s3], $0x80, v3, vm0, $0xb8;
	[tilespmem:$0x18200] =	vst v63  }
0x201: {  	s21 =	simm.s32 $0x13200  }
0x202: {  	[tilespmem:s21], [sflag:$0x5] =	stream.indirect_vreg.gather [hbm4b:s6+s3], $0x80, v3, vm0, $0xb8;
	[tilespmem:$0x18200] =	vst v63  }
0x203: {  	s25 =	simm.s32 $0x13A00  }
0x204: {  	[tilespmem:s25], [sflag:$0x5] =	stream.indirect_vreg.gather [hbm4b:s7+s3], $0x80, v3, vm0, $0xb8;
	[tilespmem:$0x18200] =	vst v63  }
0x205: {  	_ =	swait.ge [sflag:s31], $0x4000  }
0x206: {  	[sflag:s31] =	ssyncset.done $0x0  }
0x207: {  	s1 =	rddreg [dreg:$0x13];
	[sflag:s31] =	ssyncadd.s32 $0xFFFFC000  }
0x208: {  	[hbm4b:s1+s3] =	stream.linear.scatter [tilespmem:s8], [sflag:$0xA], $0x4000, $0x38;
	[tilespmem:$0x18200] =	vst v63  }
0x209: {  	_ =	swait.ge [sflag:s17], $0x4000  }
0x20a: {  	[sflag:s17] =	ssyncset.done $0x0  }
0x20b: {  	[sflag:s17] =	ssyncadd.s32 $0xFFFFC000  }
0x20c: {  	v3 =	vld [tilespmem:$0x110];
	_ =	sdelay $0x4  }
0x20d: {  	v49 =	vshll.u32 v3, $0x3  }
0x20e: {  	v3 =	vand.u32 $0x7, v3;
	v4 =	vand.u32 $0xFFFFFFC0, v49  }
0x20f: {  	v3 =	vor.u32 v3, v4  }
0x210: {  	v4 =	vperm.xlane v3, v0;
	_ =	sdelay $0x1  }
0x211: {  	v4 =	vadd.s32 v1, v4;
	_ =	sdelay $0x3  }
0x212: {  	s0 =	simm.s32 $0x14200  }
0x213: {  	[tilespmem:s0], [sflag:$0x6] =	stream.indirect_vreg.gather [hbm4b:s2+s3], $0x80, v4, vm0, $0xb8;
	[tilespmem:$0x18200] =	vst v63  }
0x214: {  	s19 =	simm.s32 $0x14A00;
	v3 =	vperm.xlane v3, v2  }
0x215: {  	[tilespmem:s19], [sflag:$0x6] =	stream.indirect_vreg.gather [hbm4b:s5+s3], $0x80, v4, vm0, $0xb8;
	[tilespmem:$0x18200] =	vst v63  }
0x216: {  	s25 =	simm.s32 $0x15200;
	v3 =	vadd.s32 v1, v3  }
0x217: {  	[tilespmem:s25], [sflag:$0x6] =	stream.indirect_vreg.gather [hbm4b:s6+s3], $0x80, v4, vm0, $0xb8;
	[tilespmem:$0x18200] =	vst v63  }
0x218: {  	s24 =	simm.s32 $0x15A00  }
0x219: {  	[tilespmem:s24], [sflag:$0x6] =	stream.indirect_vreg.gather [hbm4b:s7+s3], $0x80, v4, vm0, $0xb8;
	[tilespmem:$0x18200] =	vst v63  }
0x21a: {  	s1 =	simm.s32 $0x16200  }
0x21b: {  	[tilespmem:s1], [sflag:$0x6] =	stream.indirect_vreg.gather [hbm4b:s2+s3], $0x80, v3, vm0, $0xb8;
	[tilespmem:$0x18200] =	vst v63  }
0x21c: {  	s19 =	simm.s32 $0x16A00  }
0x21d: {  	[tilespmem:s19], [sflag:$0x6] =	stream.indirect_vreg.gather [hbm4b:s5+s3], $0x80, v3, vm0, $0xb8;
	[tilespmem:$0x18200] =	vst v63  }
0x21e: {  	s24 =	simm.s32 $0x17200  }
0x21f: {  	[tilespmem:s24], [sflag:$0x6] =	stream.indirect_vreg.gather [hbm4b:s6+s3], $0x80, v3, vm0, $0xb8;
	[tilespmem:$0x18200] =	vst v63  }
0x220: {  	s1 =	simm.s32 $0x17A00  }
0x221: {  	[tilespmem:s1], [sflag:$0x6] =	stream.indirect_vreg.gather [hbm4b:s7+s3], $0x80, v3, vm0, $0xb8;
	[tilespmem:$0x18200] =	vst v63  }
0x222: {  	_ =	swait.ge [sflag:s4], $0x4000  }
0x223: {  	[sflag:s4] =	ssyncset.done $0x0  }
0x224: {  	s8 =	rddreg [dreg:$0x14];
	[sflag:s4] =	ssyncadd.s32 $0xFFFFC000  }
0x225: {  	[hbm4b:s8+s3] =	stream.linear.scatter [tilespmem:s9], [sflag:$0xB], $0x4000, $0x38;
	[tilespmem:$0x18200] =	vst v63  }
0x226: {  	_ =	swait.ge [sflag:s11], $0x4000  }
0x227: {  	[sflag:s11] =	ssyncset.done $0x0  }
0x228: {  	[sflag:s11] =	ssyncadd.s32 $0xFFFFC000  }
0x229: {  	v3 =	vld [tilespmem:$0x120];
	_ =	sdelay $0x4  }
0x22a: {  	v50 =	vshll.u32 v3, $0x3  }
0x22b: {  	v3 =	vand.u32 $0x7, v3;
	v4 =	vand.u32 $0xFFFFFFC0, v50  }
0x22c: {  	v3 =	vor.u32 v3, v4  }
0x22d: {  	v4 =	vperm.xlane v3, v0;
	_ =	sdelay $0x1  }
0x22e: {  	v4 =	vadd.s32 v1, v4;
	_ =	sdelay $0x3  }
0x22f: {  	s10 =	simm.s32 $0x200  }
0x230: {  	[tilespmem:s10], [sflag:$0x1] =	stream.indirect_vreg.gather [hbm4b:s2+s3], $0x80, v4, vm0, $0xb8;
	[tilespmem:$0x18200] =	vst v63  }
0x231: {  	s9 =	simm.s32 $0xA00;
	v3 =	vperm.xlane v3, v2  }
0x232: {  	[tilespmem:s9], [sflag:$0x1] =	stream.indirect_vreg.gather [hbm4b:s5+s3], $0x80, v4, vm0, $0xb8;
	[tilespmem:$0x18200] =	vst v63  }
0x233: {  	s8 =	simm.s32 $0x1200;
	v3 =	vadd.s32 v1, v3  }
0x234: {  	[tilespmem:s8], [sflag:$0x1] =	stream.indirect_vreg.gather [hbm4b:s6+s3], $0x80, v4, vm0, $0xb8;
	[tilespmem:$0x18200] =	vst v63  }
0x235: {  	s19 =	simm.s32 $0x1A00  }
0x236: {  	[tilespmem:s19], [sflag:$0x1] =	stream.indirect_vreg.gather [hbm4b:s7+s3], $0x80, v4, vm0, $0xb8;
	[tilespmem:$0x18200] =	vst v63  }
0x237: {  	s24 =	simm.s32 $0x2200  }
0x238: {  	[tilespmem:s24], [sflag:$0x1] =	stream.indirect_vreg.gather [hbm4b:s2+s3], $0x80, v3, vm0, $0xb8;
	[tilespmem:$0x18200] =	vst v63  }
0x239: {  	s24 =	simm.s32 $0x2A00  }
0x23a: {  	[tilespmem:s24], [sflag:$0x1] =	stream.indirect_vreg.gather [hbm4b:s5+s3], $0x80, v3, vm0, $0xb8;
	[tilespmem:$0x18200] =	vst v63  }
0x23b: {  	s9 =	simm.s32 $0x3200  }
0x23c: {  	[tilespmem:s9], [sflag:$0x1] =	stream.indirect_vreg.gather [hbm4b:s6+s3], $0x80, v3, vm0, $0xb8;
	[tilespmem:$0x18200] =	vst v63  }
0x23d: {  	s1 =	simm.s32 $0x3A00  }
0x23e: {  	[tilespmem:s1], [sflag:$0x1] =	stream.indirect_vreg.gather [hbm4b:s7+s3], $0x80, v3, vm0, $0xb8;
	[tilespmem:$0x18200] =	vst v63  }
0x23f: {  	_ =	swait.ge [sflag:s12], $0x4000  }
0x240: {  	[sflag:s12] =	ssyncset.done $0x0  }
0x241: {  	s9 =	rddreg [dreg:$0x15];
	[sflag:s12] =	ssyncadd.s32 $0xFFFFC000  }
0x242: {  	[hbm4b:s9+s3] =	stream.linear.scatter [tilespmem:s0], [sflag:$0xC], $0x4000, $0x38;
	[tilespmem:$0x18200] =	vst v63  }
0x243: {  	_ =	swait.ge [sflag:s13], $0x4000  }
0x244: {  	[sflag:s13] =	ssyncset.done $0x0  }
0x245: {  	[sflag:s13] =	ssyncadd.s32 $0xFFFFC000  }
0x246: {  	v3 =	vld [tilespmem:$0x130];
	_ =	sdelay $0x4  }
0x247: {  	v51 =	vshll.u32 v3, $0x3  }
0x248: {  	v3 =	vand.u32 $0x7, v3;
	v4 =	vand.u32 $0xFFFFFFC0, v51  }
0x249: {  	v3 =	vor.u32 v3, v4  }
0x24a: {  	v4 =	vperm.xlane v3, v0;
	_ =	sdelay $0x1  }
0x24b: {  	v4 =	vadd.s32 v1, v4;
	_ =	sdelay $0x3  }
0x24c: {  	s0 =	simm.s32 $0x4200  }
0x24d: {  	[tilespmem:s0], [sflag:$0x2] =	stream.indirect_vreg.gather [hbm4b:s2+s3], $0x80, v4, vm0, $0xb8;
	[tilespmem:$0x18200] =	vst v63  }
0x24e: {  	s1 =	simm.s32 $0x4A00;
	v3 =	vperm.xlane v3, v2  }
0x24f: {  	[tilespmem:s1], [sflag:$0x2] =	stream.indirect_vreg.gather [hbm4b:s5+s3], $0x80, v4, vm0, $0xb8;
	[tilespmem:$0x18200] =	vst v63  }
0x250: {  	s9 =	simm.s32 $0x5200;
	v3 =	vadd.s32 v1, v3  }
0x251: {  	[tilespmem:s9], [sflag:$0x2] =	stream.indirect_vreg.gather [hbm4b:s6+s3], $0x80, v4, vm0, $0xb8;
	[tilespmem:$0x18200] =	vst v63  }
0x252: {  	s1 =	simm.s32 $0x5A00  }
0x253: {  	[tilespmem:s1], [sflag:$0x2] =	stream.indirect_vreg.gather [hbm4b:s7+s3], $0x80, v4, vm0, $0xb8;
	[tilespmem:$0x18200] =	vst v63  }
0x254: {  	s9 =	simm.s32 $0x6200  }
0x255: {  	[tilespmem:s9], [sflag:$0x2] =	stream.indirect_vreg.gather [hbm4b:s2+s3], $0x80, v3, vm0, $0xb8;
	[tilespmem:$0x18200] =	vst v63  }
0x256: {  	s1 =	simm.s32 $0x6A00  }
0x257: {  	[tilespmem:s1], [sflag:$0x2] =	stream.indirect_vreg.gather [hbm4b:s5+s3], $0x80, v3, vm0, $0xb8;
	[tilespmem:$0x18200] =	vst v63  }
0x258: {  	s9 =	simm.s32 $0x7200  }
0x259: {  	[tilespmem:s9], [sflag:$0x2] =	stream.indirect_vreg.gather [hbm4b:s6+s3], $0x80, v3, vm0, $0xb8;
	[tilespmem:$0x18200] =	vst v63  }
0x25a: {  	s1 =	simm.s32 $0x7A00  }
0x25b: {  	[tilespmem:s1], [sflag:$0x2] =	stream.indirect_vreg.gather [hbm4b:s7+s3], $0x80, v3, vm0, $0xb8;
	[tilespmem:$0x18200] =	vst v63  }
0x25c: {  	_ =	swait.ge [sflag:s26], $0x4000  }
0x25d: {  	[sflag:s26] =	ssyncset.done $0x0  }
0x25e: {  	s9 =	rddreg [dreg:$0x16];
	[sflag:s26] =	ssyncadd.s32 $0xFFFFC000  }
0x25f: {  	[hbm4b:s9+s3] =	stream.linear.scatter [tilespmem:s10], [sflag:$0x7], $0x4000, $0x38;
	[tilespmem:$0x18200] =	vst v63  }
0x260: {  	_ =	swait.ge [sflag:s14], $0x4000  }
0x261: {  	[sflag:s14] =	ssyncset.done $0x0  }
0x262: {  	[sflag:s14] =	ssyncadd.s32 $0xFFFFC000  }
0x263: {  	v3 =	vld [tilespmem:$0x140];
	_ =	sdelay $0x4  }
0x264: {  	v52 =	vshll.u32 v3, $0x3  }
0x265: {  	v3 =	vand.u32 $0x7, v3;
	v4 =	vand.u32 $0xFFFFFFC0, v52  }
0x266: {  	v3 =	vor.u32 v3, v4  }
0x267: {  	v4 =	vperm.xlane v3, v0;
	_ =	sdelay $0x1  }
0x268: {  	v4 =	vadd.s32 v1, v4;
	_ =	sdelay $0x3  }
0x269: {  	s9 =	simm.s32 $0x8200  }
0x26a: {  	[tilespmem:s9], [sflag:$0x3] =	stream.indirect_vreg.gather [hbm4b:s2+s3], $0x80, v4, vm0, $0xb8;
	[tilespmem:$0x18200] =	vst v63  }
0x26b: {  	s19 =	simm.s32 $0x8A00;
	v3 =	vperm.xlane v3, v2  }
0x26c: {  	[tilespmem:s19], [sflag:$0x3] =	stream.indirect_vreg.gather [hbm4b:s5+s3], $0x80, v4, vm0, $0xb8;
	[tilespmem:$0x18200] =	vst v63  }
0x26d: {  	v3 =	vadd.s32 v1, v3  }
0x26e: {  	[tilespmem:s20], [sflag:$0x3] =	stream.indirect_vreg.gather [hbm4b:s6+s3], $0x80, v4, vm0, $0xb8;
	[tilespmem:$0x18200] =	vst v63  }
0x26f: {  	_ = 	snop  }
0x270: {  	[tilespmem:s22], [sflag:$0x3] =	stream.indirect_vreg.gather [hbm4b:s7+s3], $0x80, v4, vm0, $0xb8;
	[tilespmem:$0x18200] =	vst v63  }
0x271: {  	_ = 	snop  }
0x272: {  	[tilespmem:s23], [sflag:$0x3] =	stream.indirect_vreg.gather [hbm4b:s2+s3], $0x80, v3, vm0, $0xb8;
	[tilespmem:$0x18200] =	vst v63  }
0x273: {  	_ = 	snop  }
0x274: {  	[tilespmem:s28], [sflag:$0x3] =	stream.indirect_vreg.gather [hbm4b:s5+s3], $0x80, v3, vm0, $0xb8;
	[tilespmem:$0x18200] =	vst v63  }
0x275: {  	s20 =	simm.s32 $0xB200  }
0x276: {  	[tilespmem:s20], [sflag:$0x3] =	stream.indirect_vreg.gather [hbm4b:s6+s3], $0x80, v3, vm0, $0xb8;
	[tilespmem:$0x18200] =	vst v63  }
0x277: {  	s22 =	simm.s32 $0xBA00  }
0x278: {  	[tilespmem:s22], [sflag:$0x3] =	stream.indirect_vreg.gather [hbm4b:s7+s3], $0x80, v3, vm0, $0xb8;
	[tilespmem:$0x18200] =	vst v63  }
0x279: {  	_ =	swait.ge [sflag:s29], $0x4000  }
0x27a: {  	[sflag:s29] =	ssyncset.done $0x0  }
0x27b: {  	s1 =	rddreg [dreg:$0x17];
	[sflag:s29] =	ssyncadd.s32 $0xFFFFC000  }
0x27c: {  	[hbm4b:s1+s3] =	stream.linear.scatter [tilespmem:s0], [sflag:$0x8], $0x4000, $0x38;
	[tilespmem:$0x18200] =	vst v63  }
0x27d: {  	_ =	swait.ge [sflag:s15], $0x4000  }
0x27e: {  	[sflag:s15] =	ssyncset.done $0x0  }
0x27f: {  	[sflag:s15] =	ssyncadd.s32 $0xFFFFC000  }
0x280: {  	v3 =	vld [tilespmem:$0x150];
	_ =	sdelay $0x4  }
0x281: {  	v53 =	vshll.u32 v3, $0x3  }
0x282: {  	v3 =	vand.u32 $0x7, v3;
	v4 =	vand.u32 $0xFFFFFFC0, v53  }
0x283: {  	v3 =	vor.u32 v3, v4  }
0x284: {  	v4 =	vperm.xlane v3, v0;
	_ =	sdelay $0x1  }
0x285: {  	v4 =	vadd.s32 v1, v4;
	_ =	sdelay $0x3  }
0x286: {  	s1 =	simm.s32 $0xC200  }
0x287: {  	[tilespmem:s1], [sflag:$0x4] =	stream.indirect_vreg.gather [hbm4b:s2+s3], $0x80, v4, vm0, $0xb8;
	[tilespmem:$0x18200] =	vst v63  }
0x288: {  	s10 =	simm.s32 $0xCA00;
	v3 =	vperm.xlane v3, v2  }
0x289: {  	[tilespmem:s10], [sflag:$0x4] =	stream.indirect_vreg.gather [hbm4b:s5+s3], $0x80, v4, vm0, $0xb8;
	[tilespmem:$0x18200] =	vst v63  }
0x28a: {  	s19 =	simm.s32 $0xD200;
	v3 =	vadd.s32 v1, v3  }
0x28b: {  	[tilespmem:s19], [sflag:$0x4] =	stream.indirect_vreg.gather [hbm4b:s6+s3], $0x80, v4, vm0, $0xb8;
	[tilespmem:$0x18200] =	vst v63  }
0x28c: {  	s20 =	simm.s32 $0xDA00  }
0x28d: {  	[tilespmem:s20], [sflag:$0x4] =	stream.indirect_vreg.gather [hbm4b:s7+s3], $0x80, v4, vm0, $0xb8;
	[tilespmem:$0x18200] =	vst v63  }
0x28e: {  	s10 =	simm.s32 $0xE200  }
0x28f: {  	[tilespmem:s10], [sflag:$0x4] =	stream.indirect_vreg.gather [hbm4b:s2+s3], $0x80, v3, vm0, $0xb8;
	[tilespmem:$0x18200] =	vst v63  }
0x290: {  	s19 =	simm.s32 $0xEA00  }
0x291: {  	[tilespmem:s19], [sflag:$0x4] =	stream.indirect_vreg.gather [hbm4b:s5+s3], $0x80, v3, vm0, $0xb8;
	[tilespmem:$0x18200] =	vst v63  }
0x292: {  	_ = 	snop  }
0x293: {  	[tilespmem:s30], [sflag:$0x4] =	stream.indirect_vreg.gather [hbm4b:s6+s3], $0x80, v3, vm0, $0xb8;
	[tilespmem:$0x18200] =	vst v63  }
0x294: {  	s20 =	simm.s32 $0xFA00  }
0x295: {  	[tilespmem:s20], [sflag:$0x4] =	stream.indirect_vreg.gather [hbm4b:s7+s3], $0x80, v3, vm0, $0xb8;
	[tilespmem:$0x18200] =	vst v63  }
0x296: {  	_ =	swait.ge [sflag:s18], $0x4000  }
0x297: {  	[sflag:s18] =	ssyncset.done $0x0  }
0x298: {  	s0 =	rddreg [dreg:$0x18];
	[sflag:s18] =	ssyncadd.s32 $0xFFFFC000  }
0x299: {  	[hbm4b:s0+s3] =	stream.linear.scatter [tilespmem:s9], [sflag:$0x9], $0x4000, $0x38;
	[tilespmem:$0x18200] =	vst v63  }
0x29a: {  	_ =	swait.ge [sflag:s16], $0x4000  }
0x29b: {  	[sflag:s16] =	ssyncset.done $0x0  }
0x29c: {  	[sflag:s16] =	ssyncadd.s32 $0xFFFFC000  }
0x29d: {  	v3 =	vld [tilespmem:$0x160];
	_ =	sdelay $0x4  }
0x29e: {  	v54 =	vshll.u32 v3, $0x3  }
0x29f: {  	v3 =	vand.u32 $0x7, v3;
	v4 =	vand.u32 $0xFFFFFFC0, v54  }
0x2a0: {  	v3 =	vor.u32 v3, v4  }
0x2a1: {  	v4 =	vperm.xlane v3, v0;
	_ =	sdelay $0x1  }
0x2a2: {  	v4 =	vadd.s32 v1, v4;
	_ =	sdelay $0x3  }
0x2a3: {  	s0 =	simm.s32 $0x10200  }
0x2a4: {  	[tilespmem:s0], [sflag:$0x5] =	stream.indirect_vreg.gather [hbm4b:s2+s3], $0x80, v4, vm0, $0xb8;
	[tilespmem:$0x18200] =	vst v63  }
0x2a5: {  	s9 =	simm.s32 $0x10A00;
	v3 =	vperm.xlane v3, v2  }
0x2a6: {  	[tilespmem:s9], [sflag:$0x5] =	stream.indirect_vreg.gather [hbm4b:s5+s3], $0x80, v4, vm0, $0xb8;
	[tilespmem:$0x18200] =	vst v63  }
0x2a7: {  	s10 =	simm.s32 $0x11200;
	v3 =	vadd.s32 v1, v3  }
0x2a8: {  	[tilespmem:s10], [sflag:$0x5] =	stream.indirect_vreg.gather [hbm4b:s6+s3], $0x80, v4, vm0, $0xb8;
	[tilespmem:$0x18200] =	vst v63  }
0x2a9: {  	s9 =	simm.s32 $0x11A00  }
0x2aa: {  	[tilespmem:s9], [sflag:$0x5] =	stream.indirect_vreg.gather [hbm4b:s7+s3], $0x80, v4, vm0, $0xb8;
	[tilespmem:$0x18200] =	vst v63  }
0x2ab: {  	s10 =	simm.s32 $0x12200  }
0x2ac: {  	[tilespmem:s10], [sflag:$0x5] =	stream.indirect_vreg.gather [hbm4b:s2+s3], $0x80, v3, vm0, $0xb8;
	[tilespmem:$0x18200] =	vst v63  }
0x2ad: {  	s19 =	simm.s32 $0x12A00  }
0x2ae: {  	[tilespmem:s19], [sflag:$0x5] =	stream.indirect_vreg.gather [hbm4b:s5+s3], $0x80, v3, vm0, $0xb8;
	[tilespmem:$0x18200] =	vst v63  }
0x2af: {  	_ = 	snop  }
0x2b0: {  	[tilespmem:s21], [sflag:$0x5] =	stream.indirect_vreg.gather [hbm4b:s6+s3], $0x80, v3, vm0, $0xb8;
	[tilespmem:$0x18200] =	vst v63  }
0x2b1: {  	s21 =	simm.s32 $0x13A00  }
0x2b2: {  	[tilespmem:s21], [sflag:$0x5] =	stream.indirect_vreg.gather [hbm4b:s7+s3], $0x80, v3, vm0, $0xb8;
	[tilespmem:$0x18200] =	vst v63  }
0x2b3: {  	_ =	swait.ge [sflag:s31], $0x4000  }
0x2b4: {  	[sflag:s31] =	ssyncset.done $0x0  }
0x2b5: {  	s9 =	rddreg [dreg:$0x19];
	[sflag:s31] =	ssyncadd.s32 $0xFFFFC000  }
0x2b6: {  	[hbm4b:s9+s3] =	stream.linear.scatter [tilespmem:s1], [sflag:$0xA], $0x4000, $0x38;
	[tilespmem:$0x18200] =	vst v63  }
0x2b7: {  	_ =	swait.ge [sflag:s17], $0x4000  }
0x2b8: {  	[sflag:s17] =	ssyncset.done $0x0  }
0x2b9: {  	[sflag:s17] =	ssyncadd.s32 $0xFFFFC000  }
0x2ba: {  	v3 =	vld [tilespmem:$0x170];
	_ =	sdelay $0x4  }
0x2bb: {  	v55 =	vshll.u32 v3, $0x3  }
0x2bc: {  	v3 =	vand.u32 $0x7, v3;
	v4 =	vand.u32 $0xFFFFFFC0, v55  }
0x2bd: {  	v3 =	vor.u32 v3, v4  }
0x2be: {  	v4 =	vperm.xlane v3, v0;
	_ =	sdelay $0x1  }
0x2bf: {  	v4 =	vadd.s32 v1, v4;
	_ =	sdelay $0x3  }
0x2c0: {  	s1 =	simm.s32 $0x14200  }
0x2c1: {  	[tilespmem:s1], [sflag:$0x6] =	stream.indirect_vreg.gather [hbm4b:s2+s3], $0x80, v4, vm0, $0xb8;
	[tilespmem:$0x18200] =	vst v63  }
0x2c2: {  	s10 =	simm.s32 $0x14A00;
	v3 =	vperm.xlane v3, v2  }
0x2c3: {  	[tilespmem:s10], [sflag:$0x6] =	stream.indirect_vreg.gather [hbm4b:s5+s3], $0x80, v4, vm0, $0xb8;
	[tilespmem:$0x18200] =	vst v63  }
0x2c4: {  	v3 =	vadd.s32 v1, v3  }
0x2c5: {  	[tilespmem:s25], [sflag:$0x6] =	stream.indirect_vreg.gather [hbm4b:s6+s3], $0x80, v4, vm0, $0xb8;
	[tilespmem:$0x18200] =	vst v63  }
0x2c6: {  	s10 =	simm.s32 $0x15A00  }
0x2c7: {  	[tilespmem:s10], [sflag:$0x6] =	stream.indirect_vreg.gather [hbm4b:s7+s3], $0x80, v4, vm0, $0xb8;
	[tilespmem:$0x18200] =	vst v63  }
0x2c8: {  	s25 =	simm.s32 $0x16200  }
0x2c9: {  	[tilespmem:s25], [sflag:$0x6] =	stream.indirect_vreg.gather [hbm4b:s2+s3], $0x80, v3, vm0, $0xb8;
	[tilespmem:$0x18200] =	vst v63  }
0x2ca: {  	s10 =	simm.s32 $0x16A00  }
0x2cb: {  	[tilespmem:s10], [sflag:$0x6] =	stream.indirect_vreg.gather [hbm4b:s5+s3], $0x80, v3, vm0, $0xb8;
	[tilespmem:$0x18200] =	vst v63  }
0x2cc: {  	s25 =	simm.s32 $0x17200  }
0x2cd: {  	[tilespmem:s25], [sflag:$0x6] =	stream.indirect_vreg.gather [hbm4b:s6+s3], $0x80, v3, vm0, $0xb8;
	[tilespmem:$0x18200] =	vst v63  }
0x2ce: {  	s10 =	simm.s32 $0x17A00  }
0x2cf: {  	[tilespmem:s10], [sflag:$0x6] =	stream.indirect_vreg.gather [hbm4b:s7+s3], $0x80, v3, vm0, $0xb8;
	[tilespmem:$0x18200] =	vst v63  }
0x2d0: {  	_ =	swait.ge [sflag:s4], $0x4000  }
0x2d1: {  	[sflag:s4] =	ssyncset.done $0x0  }
0x2d2: {  	s25 =	rddreg [dreg:$0x1a];
	[sflag:s4] =	ssyncadd.s32 $0xFFFFC000  }
0x2d3: {  	[hbm4b:s25+s3] =	stream.linear.scatter [tilespmem:s0], [sflag:$0xB], $0x4000, $0x38;
	[tilespmem:$0x18200] =	vst v63  }
0x2d4: {  	_ =	swait.ge [sflag:s11], $0x4000  }
0x2d5: {  	[sflag:s11] =	ssyncset.done $0x0  }
0x2d6: {  	[sflag:s11] =	ssyncadd.s32 $0xFFFFC000  }
0x2d7: {  	v3 =	vld [tilespmem:$0x180];
	_ =	sdelay $0x4  }
0x2d8: {  	v56 =	vshll.u32 v3, $0x3  }
0x2d9: {  	v3 =	vand.u32 $0x7, v3;
	v4 =	vand.u32 $0xFFFFFFC0, v56  }
0x2da: {  	v3 =	vor.u32 v3, v4  }
0x2db: {  	v4 =	vperm.xlane v3, v0;
	_ =	sdelay $0x1  }
0x2dc: {  	v4 =	vadd.s32 v1, v4;
	_ =	sdelay $0x3  }
0x2dd: {  	s25 =	simm.s32 $0x200  }
0x2de: {  	[tilespmem:s25], [sflag:$0x1] =	stream.indirect_vreg.gather [hbm4b:s2+s3], $0x80, v4, vm0, $0xb8;
	[tilespmem:$0x18200] =	vst v63  }
0x2df: {  	s10 =	simm.s32 $0xA00;
	v3 =	vperm.xlane v3, v2  }
0x2e0: {  	[tilespmem:s10], [sflag:$0x1] =	stream.indirect_vreg.gather [hbm4b:s5+s3], $0x80, v4, vm0, $0xb8;
	[tilespmem:$0x18200] =	vst v63  }
0x2e1: {  	v3 =	vadd.s32 v1, v3  }
0x2e2: {  	[tilespmem:s8], [sflag:$0x1] =	stream.indirect_vreg.gather [hbm4b:s6+s3], $0x80, v4, vm0, $0xb8;
	[tilespmem:$0x18200] =	vst v63  }
0x2e3: {  	s10 =	simm.s32 $0x1A00  }
0x2e4: {  	[tilespmem:s10], [sflag:$0x1] =	stream.indirect_vreg.gather [hbm4b:s7+s3], $0x80, v4, vm0, $0xb8;
	[tilespmem:$0x18200] =	vst v63  }
0x2e5: {  	s19 =	simm.s32 $0x2200  }
0x2e6: {  	[tilespmem:s19], [sflag:$0x1] =	stream.indirect_vreg.gather [hbm4b:s2+s3], $0x80, v3, vm0, $0xb8;
	[tilespmem:$0x18200] =	vst v63  }
0x2e7: {  	_ = 	snop  }
0x2e8: {  	[tilespmem:s24], [sflag:$0x1] =	stream.indirect_vreg.gather [hbm4b:s5+s3], $0x80, v3, vm0, $0xb8;
	[tilespmem:$0x18200] =	vst v63  }
0x2e9: {  	s8 =	simm.s32 $0x3200  }
0x2ea: {  	[tilespmem:s8], [sflag:$0x1] =	stream.indirect_vreg.gather [hbm4b:s6+s3], $0x80, v3, vm0, $0xb8;
	[tilespmem:$0x18200] =	vst v63  }
0x2eb: {  	s8 =	simm.s32 $0x3A00  }
0x2ec: {  	[tilespmem:s8], [sflag:$0x1] =	stream.indirect_vreg.gather [hbm4b:s7+s3], $0x80, v3, vm0, $0xb8;
	[tilespmem:$0x18200] =	vst v63  }
0x2ed: {  	_ =	swait.ge [sflag:s12], $0x4000  }
0x2ee: {  	[sflag:s12] =	ssyncset.done $0x0  }
0x2ef: {  	s8 =	rddreg [dreg:$0x1b];
	[sflag:s12] =	ssyncadd.s32 $0xFFFFC000  }
0x2f0: {  	[hbm4b:s8+s3] =	stream.linear.scatter [tilespmem:s1], [sflag:$0xC], $0x4000, $0x38;
	[tilespmem:$0x18200] =	vst v63  }
0x2f1: {  	_ =	swait.ge [sflag:s13], $0x4000  }
0x2f2: {  	[sflag:s13] =	ssyncset.done $0x0  }
0x2f3: {  	[sflag:s13] =	ssyncadd.s32 $0xFFFFC000  }
0x2f4: {  	v3 =	vld [tilespmem:$0x190];
	_ =	sdelay $0x4  }
0x2f5: {  	v57 =	vshll.u32 v3, $0x3  }
0x2f6: {  	v3 =	vand.u32 $0x7, v3;
	v4 =	vand.u32 $0xFFFFFFC0, v57  }
0x2f7: {  	v3 =	vor.u32 v3, v4  }
0x2f8: {  	v4 =	vperm.xlane v3, v0;
	_ =	sdelay $0x1  }
0x2f9: {  	v4 =	vadd.s32 v1, v4;
	_ =	sdelay $0x3  }
0x2fa: {  	s22 =	simm.s32 $0x4200  }
0x2fb: {  	[tilespmem:s22], [sflag:$0x2] =	stream.indirect_vreg.gather [hbm4b:s2+s3], $0x80, v4, vm0, $0xb8;
	[tilespmem:$0x18200] =	vst v63  }
0x2fc: {  	s1 =	simm.s32 $0x4A00;
	v3 =	vperm.xlane v3, v2  }
0x2fd: {  	[tilespmem:s1], [sflag:$0x2] =	stream.indirect_vreg.gather [hbm4b:s5+s3], $0x80, v4, vm0, $0xb8;
	[tilespmem:$0x18200] =	vst v63  }
0x2fe: {  	v3 =	vadd.s32 v1, v3;
	s1 =	simm.s32 $0x5200  }
0x2ff: {  	[tilespmem:s1], [sflag:$0x2] =	stream.indirect_vreg.gather [hbm4b:s6+s3], $0x80, v4, vm0, $0xb8;
	[tilespmem:$0x18200] =	vst v63  }
0x300: {  	s1 =	simm.s32 $0x5A00  }
0x301: {  	[tilespmem:s1], [sflag:$0x2] =	stream.indirect_vreg.gather [hbm4b:s7+s3], $0x80, v4, vm0, $0xb8;
	[tilespmem:$0x18200] =	vst v63  }
0x302: {  	s1 =	simm.s32 $0x6200  }
0x303: {  	[tilespmem:s1], [sflag:$0x2] =	stream.indirect_vreg.gather [hbm4b:s2+s3], $0x80, v3, vm0, $0xb8;
	[tilespmem:$0x18200] =	vst v63  }
0x304: {  	s1 =	simm.s32 $0x6A00  }
0x305: {  	[tilespmem:s1], [sflag:$0x2] =	stream.indirect_vreg.gather [hbm4b:s5+s3], $0x80, v3, vm0, $0xb8;
	[tilespmem:$0x18200] =	vst v63  }
0x306: {  	s1 =	simm.s32 $0x7200  }
0x307: {  	[tilespmem:s1], [sflag:$0x2] =	stream.indirect_vreg.gather [hbm4b:s6+s3], $0x80, v3, vm0, $0xb8;
	[tilespmem:$0x18200] =	vst v63  }
0x308: {  	s1 =	simm.s32 $0x7A00  }
0x309: {  	[tilespmem:s1], [sflag:$0x2] =	stream.indirect_vreg.gather [hbm4b:s7+s3], $0x80, v3, vm0, $0xb8;
	[tilespmem:$0x18200] =	vst v63  }
0x30a: {  	_ =	swait.ge [sflag:s26], $0x4000  }
0x30b: {  	[sflag:s26] =	ssyncset.done $0x0  }
0x30c: {  	s1 =	rddreg [dreg:$0x1c];
	[sflag:s26] =	ssyncadd.s32 $0xFFFFC000  }
0x30d: {  	[hbm4b:s1+s3] =	stream.linear.scatter [tilespmem:s25], [sflag:$0x7], $0x4000, $0x38;
	[tilespmem:$0x18200] =	vst v63  }
0x30e: {  	_ =	swait.ge [sflag:s14], $0x4000  }
0x30f: {  	[sflag:s14] =	ssyncset.done $0x0  }
0x310: {  	[sflag:s14] =	ssyncadd.s32 $0xFFFFC000  }
0x311: {  	v3 =	vld [tilespmem:$0x1A0];
	_ =	sdelay $0x4  }
0x312: {  	v58 =	vshll.u32 v3, $0x3  }
0x313: {  	v3 =	vand.u32 $0x7, v3;
	v4 =	vand.u32 $0xFFFFFFC0, v58  }
0x314: {  	v3 =	vor.u32 v3, v4  }
0x315: {  	v4 =	vperm.xlane v3, v0;
	_ =	sdelay $0x1  }
0x316: {  	v4 =	vadd.s32 v1, v4;
	_ =	sdelay $0x3  }
0x317: {  	s20 =	simm.s32 $0x8200  }
0x318: {  	[tilespmem:s20], [sflag:$0x3] =	stream.indirect_vreg.gather [hbm4b:s2+s3], $0x80, v4, vm0, $0xb8;
	[tilespmem:$0x18200] =	vst v63  }
0x319: {  	s19 =	simm.s32 $0x8A00;
	v3 =	vperm.xlane v3, v2  }
0x31a: {  	[tilespmem:s19], [sflag:$0x3] =	stream.indirect_vreg.gather [hbm4b:s5+s3], $0x80, v4, vm0, $0xb8;
	[tilespmem:$0x18200] =	vst v63  }
0x31b: {  	v3 =	vadd.s32 v1, v3;
	s19 =	simm.s32 $0x9200  }
0x31c: {  	[tilespmem:s19], [sflag:$0x3] =	stream.indirect_vreg.gather [hbm4b:s6+s3], $0x80, v4, vm0, $0xb8;
	[tilespmem:$0x18200] =	vst v63  }
0x31d: {  	s19 =	simm.s32 $0x9A00  }
0x31e: {  	[tilespmem:s19], [sflag:$0x3] =	stream.indirect_vreg.gather [hbm4b:s7+s3], $0x80, v4, vm0, $0xb8;
	[tilespmem:$0x18200] =	vst v63  }
0x31f: {  	s23 =	simm.s32 $0xA200  }
0x320: {  	[tilespmem:s23], [sflag:$0x3] =	stream.indirect_vreg.gather [hbm4b:s2+s3], $0x80, v3, vm0, $0xb8;
	[tilespmem:$0x18200] =	vst v63  }
0x321: {  	s28 =	simm.s32 $0xAA00  }
0x322: {  	[tilespmem:s28], [sflag:$0x3] =	stream.indirect_vreg.gather [hbm4b:s5+s3], $0x80, v3, vm0, $0xb8;
	[tilespmem:$0x18200] =	vst v63  }
0x323: {  	s28 =	simm.s32 $0xB200  }
0x324: {  	[tilespmem:s28], [sflag:$0x3] =	stream.indirect_vreg.gather [hbm4b:s6+s3], $0x80, v3, vm0, $0xb8;
	[tilespmem:$0x18200] =	vst v63  }
0x325: {  	s19 =	simm.s32 $0xBA00  }
0x326: {  	[tilespmem:s19], [sflag:$0x3] =	stream.indirect_vreg.gather [hbm4b:s7+s3], $0x80, v3, vm0, $0xb8;
	[tilespmem:$0x18200] =	vst v63  }
0x327: {  	_ =	swait.ge [sflag:s29], $0x4000  }
0x328: {  	[sflag:s29] =	ssyncset.done $0x0  }
0x329: {  	s23 =	rddreg [dreg:$0x1d];
	[sflag:s29] =	ssyncadd.s32 $0xFFFFC000  }
0x32a: {  	[hbm4b:s23+s3] =	stream.linear.scatter [tilespmem:s22], [sflag:$0x8], $0x4000, $0x38;
	[tilespmem:$0x18200] =	vst v63  }
0x32b: {  	_ =	swait.ge [sflag:s15], $0x4000  }
0x32c: {  	[sflag:s15] =	ssyncset.done $0x0  }
0x32d: {  	[sflag:s15] =	ssyncadd.s32 $0xFFFFC000  }
0x32e: {  	v3 =	vld [tilespmem:$0x1B0];
	_ =	sdelay $0x4  }
0x32f: {  	v59 =	vshll.u32 v3, $0x3  }
0x330: {  	v3 =	vand.u32 $0x7, v3;
	v4 =	vand.u32 $0xFFFFFFC0, v59  }
0x331: {  	v3 =	vor.u32 v3, v4  }
0x332: {  	v4 =	vperm.xlane v3, v0;
	_ =	sdelay $0x1  }
0x333: {  	v4 =	vadd.s32 v1, v4;
	_ =	sdelay $0x3  }
0x334: {  	s9 =	simm.s32 $0xC200  }
0x335: {  	[tilespmem:s9], [sflag:$0x4] =	stream.indirect_vreg.gather [hbm4b:s2+s3], $0x80, v4, vm0, $0xb8;
	[tilespmem:$0x18200] =	vst v63  }
0x336: {  	s28 =	simm.s32 $0xCA00;
	v3 =	vperm.xlane v3, v2  }
0x337: {  	[tilespmem:s28], [sflag:$0x4] =	stream.indirect_vreg.gather [hbm4b:s5+s3], $0x80, v4, vm0, $0xb8;
	[tilespmem:$0x18200] =	vst v63  }
0x338: {  	s19 =	simm.s32 $0xD200;
	v3 =	vadd.s32 v1, v3  }
0x339: {  	[tilespmem:s19], [sflag:$0x4] =	stream.indirect_vreg.gather [hbm4b:s6+s3], $0x80, v4, vm0, $0xb8;
	[tilespmem:$0x18200] =	vst v63  }
0x33a: {  	s23 =	simm.s32 $0xDA00  }
0x33b: {  	[tilespmem:s23], [sflag:$0x4] =	stream.indirect_vreg.gather [hbm4b:s7+s3], $0x80, v4, vm0, $0xb8;
	[tilespmem:$0x18200] =	vst v63  }
0x33c: {  	s28 =	simm.s32 $0xE200  }
0x33d: {  	[tilespmem:s28], [sflag:$0x4] =	stream.indirect_vreg.gather [hbm4b:s2+s3], $0x80, v3, vm0, $0xb8;
	[tilespmem:$0x18200] =	vst v63  }
0x33e: {  	s19 =	simm.s32 $0xEA00  }
0x33f: {  	[tilespmem:s19], [sflag:$0x4] =	stream.indirect_vreg.gather [hbm4b:s5+s3], $0x80, v3, vm0, $0xb8;
	[tilespmem:$0x18200] =	vst v63  }
0x340: {  	s30 =	simm.s32 $0xF200  }
0x341: {  	[tilespmem:s30], [sflag:$0x4] =	stream.indirect_vreg.gather [hbm4b:s6+s3], $0x80, v3, vm0, $0xb8;
	[tilespmem:$0x18200] =	vst v63  }
0x342: {  	s23 =	simm.s32 $0xFA00  }
0x343: {  	[tilespmem:s23], [sflag:$0x4] =	stream.indirect_vreg.gather [hbm4b:s7+s3], $0x80, v3, vm0, $0xb8;
	[tilespmem:$0x18200] =	vst v63  }
0x344: {  	_ =	swait.ge [sflag:s18], $0x4000  }
0x345: {  	[sflag:s18] =	ssyncset.done $0x0  }
0x346: {  	s28 =	rddreg [dreg:$0x1e];
	[sflag:s18] =	ssyncadd.s32 $0xFFFFC000  }
0x347: {  	[hbm4b:s28+s3] =	stream.linear.scatter [tilespmem:s20], [sflag:$0x9], $0x4000, $0x38;
	[tilespmem:$0x18200] =	vst v63  }
0x348: {  	_ =	swait.ge [sflag:s16], $0x4000  }
0x349: {  	[sflag:s16] =	ssyncset.done $0x0  }
0x34a: {  	[sflag:s16] =	ssyncadd.s32 $0xFFFFC000  }
0x34b: {  	v3 =	vld [tilespmem:$0x1C0];
	_ =	sdelay $0x4  }
0x34c: {  	v60 =	vshll.u32 v3, $0x3  }
0x34d: {  	v3 =	vand.u32 $0x7, v3;
	v4 =	vand.u32 $0xFFFFFFC0, v60  }
0x34e: {  	v3 =	vor.u32 v3, v4  }
0x34f: {  	v4 =	vperm.xlane v3, v0;
	_ =	sdelay $0x1  }
0x350: {  	v4 =	vadd.s32 v1, v4;
	_ =	sdelay $0x3  }
0x351: {  	s0 =	simm.s32 $0x10200  }
0x352: {  	[tilespmem:s0], [sflag:$0x5] =	stream.indirect_vreg.gather [hbm4b:s2+s3], $0x80, v4, vm0, $0xb8;
	[tilespmem:$0x18200] =	vst v63  }
0x353: {  	s30 =	simm.s32 $0x10A00;
	v3 =	vperm.xlane v3, v2  }
0x354: {  	[tilespmem:s30], [sflag:$0x5] =	stream.indirect_vreg.gather [hbm4b:s5+s3], $0x80, v4, vm0, $0xb8;
	[tilespmem:$0x18200] =	vst v63  }
0x355: {  	s19 =	simm.s32 $0x11200;
	v3 =	vadd.s32 v1, v3  }
0x356: {  	[tilespmem:s19], [sflag:$0x5] =	stream.indirect_vreg.gather [hbm4b:s6+s3], $0x80, v4, vm0, $0xb8;
	[tilespmem:$0x18200] =	vst v63  }
0x357: {  	s20 =	simm.s32 $0x11A00  }
0x358: {  	[tilespmem:s20], [sflag:$0x5] =	stream.indirect_vreg.gather [hbm4b:s7+s3], $0x80, v4, vm0, $0xb8;
	[tilespmem:$0x18200] =	vst v63  }
0x359: {  	s23 =	simm.s32 $0x12200  }
0x35a: {  	[tilespmem:s23], [sflag:$0x5] =	stream.indirect_vreg.gather [hbm4b:s2+s3], $0x80, v3, vm0, $0xb8;
	[tilespmem:$0x18200] =	vst v63  }
0x35b: {  	s28 =	simm.s32 $0x12A00  }
0x35c: {  	[tilespmem:s28], [sflag:$0x5] =	stream.indirect_vreg.gather [hbm4b:s5+s3], $0x80, v3, vm0, $0xb8;
	[tilespmem:$0x18200] =	vst v63  }
0x35d: {  	s30 =	simm.s32 $0x13200  }
0x35e: {  	[tilespmem:s30], [sflag:$0x5] =	stream.indirect_vreg.gather [hbm4b:s6+s3], $0x80, v3, vm0, $0xb8;
	[tilespmem:$0x18200] =	vst v63  }
0x35f: {  	s21 =	simm.s32 $0x13A00  }
0x360: {  	[tilespmem:s21], [sflag:$0x5] =	stream.indirect_vreg.gather [hbm4b:s7+s3], $0x80, v3, vm0, $0xb8;
	[tilespmem:$0x18200] =	vst v63  }
0x361: {  	_ =	swait.ge [sflag:s31], $0x4000  }
0x362: {  	[sflag:s31] =	ssyncset.done $0x0  }
0x363: {  	s1 =	rddreg [dreg:$0x1f];
	[sflag:s31] =	ssyncadd.s32 $0xFFFFC000  }
0x364: {  	[hbm4b:s1+s3] =	stream.linear.scatter [tilespmem:s9], [sflag:$0xA], $0x4000, $0x38;
	[tilespmem:$0x18200] =	vst v63  }
0x365: {  	_ =	swait.ge [sflag:s17], $0x4000  }
0x366: {  	[sflag:s17] =	ssyncset.done $0x0  }
0x367: {  	[sflag:s17] =	ssyncadd.s32 $0xFFFFC000  }
0x368: {  	v3 =	vld [tilespmem:$0x1D0];
	_ =	sdelay $0x4  }
0x369: {  	v61 =	vshll.u32 v3, $0x3  }
0x36a: {  	v3 =	vand.u32 $0x7, v3;
	v4 =	vand.u32 $0xFFFFFFC0, v61  }
0x36b: {  	v3 =	vor.u32 v3, v4  }
0x36c: {  	v4 =	vperm.xlane v3, v0;
	_ =	sdelay $0x1  }
0x36d: {  	v4 =	vadd.s32 v1, v4;
	_ =	sdelay $0x3  }
0x36e: {  	s8 =	simm.s32 $0x14200  }
0x36f: {  	[tilespmem:s8], [sflag:$0x6] =	stream.indirect_vreg.gather [hbm4b:s2+s3], $0x80, v4, vm0, $0xb8;
	[tilespmem:$0x18200] =	vst v63  }
0x370: {  	s9 =	simm.s32 $0x14A00;
	v3 =	vperm.xlane v3, v2  }
0x371: {  	[tilespmem:s9], [sflag:$0x6] =	stream.indirect_vreg.gather [hbm4b:s5+s3], $0x80, v4, vm0, $0xb8;
	[tilespmem:$0x18200] =	vst v63  }
0x372: {  	s19 =	simm.s32 $0x15200;
	v3 =	vadd.s32 v1, v3  }
0x373: {  	[tilespmem:s19], [sflag:$0x6] =	stream.indirect_vreg.gather [hbm4b:s6+s3], $0x80, v4, vm0, $0xb8;
	[tilespmem:$0x18200] =	vst v63  }
0x374: {  	s20 =	simm.s32 $0x15A00  }
0x375: {  	[tilespmem:s20], [sflag:$0x6] =	stream.indirect_vreg.gather [hbm4b:s7+s3], $0x80, v4, vm0, $0xb8;
	[tilespmem:$0x18200] =	vst v63  }
0x376: {  	s21 =	simm.s32 $0x16200  }
0x377: {  	[tilespmem:s21], [sflag:$0x6] =	stream.indirect_vreg.gather [hbm4b:s2+s3], $0x80, v3, vm0, $0xb8;
	[tilespmem:$0x18200] =	vst v63  }
0x378: {  	s23 =	simm.s32 $0x16A00  }
0x379: {  	[tilespmem:s23], [sflag:$0x6] =	stream.indirect_vreg.gather [hbm4b:s5+s3], $0x80, v3, vm0, $0xb8;
	[tilespmem:$0x18200] =	vst v63  }
0x37a: {  	s28 =	simm.s32 $0x17200  }
0x37b: {  	[tilespmem:s28], [sflag:$0x6] =	stream.indirect_vreg.gather [hbm4b:s6+s3], $0x80, v3, vm0, $0xb8;
	[tilespmem:$0x18200] =	vst v63  }
0x37c: {  	s30 =	simm.s32 $0x17A00  }
0x37d: {  	[tilespmem:s30], [sflag:$0x6] =	stream.indirect_vreg.gather [hbm4b:s7+s3], $0x80, v3, vm0, $0xb8;
	[tilespmem:$0x18200] =	vst v63  }
0x37e: {  	_ =	swait.ge [sflag:s4], $0x4000  }
0x37f: {  	s9 =	sld [smem:$0x7F9]  }
0x380: {  	[sflag:s4] =	ssyncset.done $0x0  }
0x381: {  	[sflag:s4] =	ssyncadd.s32 $0xFFFFC000  }
0x382: {  	[hbm4b:s9+s3] =	stream.linear.scatter [tilespmem:s0], [sflag:$0xB], $0x4000, $0x38;
	[tilespmem:$0x18200] =	vst v63  }
0x383: {  	s1 =	sld [smem:$0x7F8];
	_ =	swait.ge [sflag:s11], $0x4000  }
0x384: {  	[sflag:s11] =	ssyncset.done $0x0  }
0x385: {  	[sflag:s11] =	ssyncadd.s32 $0xFFFFC000  }
0x386: {  	v3 =	vld [tilespmem:$0x1E0];
	_ =	sdelay $0x4  }
0x387: {  	v62 =	vshll.u32 v3, $0x3  }
0x388: {  	v3 =	vand.u32 $0x7, v3;
	v4 =	vand.u32 $0xFFFFFFC0, v62  }
0x389: {  	v3 =	vor.u32 v3, v4  }
0x38a: {  	v4 =	vperm.xlane v3, v0;
	_ =	sdelay $0x1  }
0x38b: {  	v4 =	vadd.s32 v1, v4;
	_ =	sdelay $0x3  }
0x38c: {  	s25 =	simm.s32 $0x200  }
0x38d: {  	[tilespmem:s25], [sflag:$0x1] =	stream.indirect_vreg.gather [hbm4b:s2+s3], $0x80, v4, vm0, $0xb8;
	[tilespmem:$0x18200] =	vst v63  }
0x38e: {  	s20 =	simm.s32 $0xA00;
	v3 =	vperm.xlane v3, v2  }
0x38f: {  	[tilespmem:s20], [sflag:$0x1] =	stream.indirect_vreg.gather [hbm4b:s5+s3], $0x80, v4, vm0, $0xb8;
	[tilespmem:$0x18200] =	vst v63  }
0x390: {  	s21 =	simm.s32 $0x1200;
	v3 =	vadd.s32 v1, v3  }
0x391: {  	[tilespmem:s21], [sflag:$0x1] =	stream.indirect_vreg.gather [hbm4b:s6+s3], $0x80, v4, vm0, $0xb8;
	[tilespmem:$0x18200] =	vst v63  }
0x392: {  	s23 =	simm.s32 $0x1A00  }
0x393: {  	[tilespmem:s23], [sflag:$0x1] =	stream.indirect_vreg.gather [hbm4b:s7+s3], $0x80, v4, vm0, $0xb8;
	[tilespmem:$0x18200] =	vst v63  }
0x394: {  	s10 =	simm.s32 $0x2200  }
0x395: {  	[tilespmem:s10], [sflag:$0x1] =	stream.indirect_vreg.gather [hbm4b:s2+s3], $0x80, v3, vm0, $0xb8;
	[tilespmem:$0x18200] =	vst v63  }
0x396: {  	s24 =	simm.s32 $0x2A00  }
0x397: {  	[tilespmem:s24], [sflag:$0x1] =	stream.indirect_vreg.gather [hbm4b:s5+s3], $0x80, v3, vm0, $0xb8;
	[tilespmem:$0x18200] =	vst v63  }
0x398: {  	s28 =	simm.s32 $0x3200  }
0x399: {  	[tilespmem:s28], [sflag:$0x1] =	stream.indirect_vreg.gather [hbm4b:s6+s3], $0x80, v3, vm0, $0xb8;
	[tilespmem:$0x18200] =	vst v63  }
0x39a: {  	s30 =	simm.s32 $0x3A00  }
0x39b: {  	[tilespmem:s30], [sflag:$0x1] =	stream.indirect_vreg.gather [hbm4b:s7+s3], $0x80, v3, vm0, $0xb8;
	[tilespmem:$0x18200] =	vst v63  }
0x39c: {  	_ =	swait.ge [sflag:s12], $0x4000  }
0x39d: {  	s0 =	sld [smem:$0x7FA]  }
0x39e: {  	[sflag:s12] =	ssyncset.done $0x0  }
0x39f: {  	[sflag:s12] =	ssyncadd.s32 $0xFFFFC000  }
0x3a0: {  	[hbm4b:s0+s3] =	stream.linear.scatter [tilespmem:s8], [sflag:$0xC], $0x4000, $0x38;
	[tilespmem:$0x18200] =	vst v63  }
0x3a1: {  	_ =	swait.ge [sflag:s13], $0x4000  }
0x3a2: {  	[sflag:s13] =	ssyncset.done $0x0  }
0x3a3: {  	[sflag:s13] =	ssyncadd.s32 $0xFFFFC000  }
0x3a4: {  	v3 =	vld [tilespmem:$0x1F0];
	_ =	sdelay $0x4  }
0x3a5: {  	v63 =	vshll.u32 v3, $0x3  }
0x3a6: {  	v3 =	vand.u32 $0x7, v3;
	v4 =	vand.u32 $0xFFFFFFC0, v63  }
0x3a7: {  	v3 =	vor.u32 v3, v4  }
0x3a8: {  	v4 =	vperm.xlane v3, v0;
	_ =	sdelay $0x1  }
0x3a9: {  	v4 =	vadd.s32 v1, v4;
	_ =	sdelay $0x4  }
0x3aa: {  	[tilespmem:s22], [sflag:$0x2] =	stream.indirect_vreg.gather [hbm4b:s2+s3], $0x80, v4, vm0, $0xb8;
	[tilespmem:$0x18200] =	vst v63  }
0x3ab: {  	s9 =	simm.s32 $0x4A00;
	v3 =	vperm.xlane v3, v2  }
0x3ac: {  	[tilespmem:s9], [sflag:$0x2] =	stream.indirect_vreg.gather [hbm4b:s5+s3], $0x80, v4, vm0, $0xb8;
	[tilespmem:$0x18200] =	vst v63  }
0x3ad: {  	s10 =	simm.s32 $0x5200;
	v3 =	vadd.s32 v1, v3  }
0x3ae: {  	[tilespmem:s10], [sflag:$0x2] =	stream.indirect_vreg.gather [hbm4b:s6+s3], $0x80, v4, vm0, $0xb8;
	[tilespmem:$0x18200] =	vst v63  }
0x3af: {  	s19 =	simm.s32 $0x5A00  }
0x3b0: {  	[tilespmem:s19], [sflag:$0x2] =	stream.indirect_vreg.gather [hbm4b:s7+s3], $0x80, v4, vm0, $0xb8;
	[tilespmem:$0x18200] =	vst v63  }
0x3b1: {  	s20 =	simm.s32 $0x6200  }
0x3b2: {  	[tilespmem:s20], [sflag:$0x2] =	stream.indirect_vreg.gather [hbm4b:s2+s3], $0x80, v3, vm0, $0xb8;
	[tilespmem:$0x18200] =	vst v63  }
0x3b3: {  	s21 =	simm.s32 $0x6A00  }
0x3b4: {  	[tilespmem:s21], [sflag:$0x2] =	stream.indirect_vreg.gather [hbm4b:s5+s3], $0x80, v3, vm0, $0xb8;
	[tilespmem:$0x18200] =	vst v63  }
0x3b5: {  	s23 =	simm.s32 $0x7200  }
0x3b6: {  	[tilespmem:s23], [sflag:$0x2] =	stream.indirect_vreg.gather [hbm4b:s6+s3], $0x80, v3, vm0, $0xb8;
	[tilespmem:$0x18200] =	vst v63  }
0x3b7: {  	s24 =	simm.s32 $0x7A00  }
0x3b8: {  	[tilespmem:s24], [sflag:$0x2] =	stream.indirect_vreg.gather [hbm4b:s7+s3], $0x80, v3, vm0, $0xb8;
	[tilespmem:$0x18200] =	vst v63  }
0x3b9: {  	_ =	swait.ge [sflag:s26], $0x4000  }
0x3ba: {  	s28 =	sld [smem:$0x7FB]  }
0x3bb: {  	[sflag:s26] =	ssyncset.done $0x0  }
0x3bc: {  	[sflag:s26] =	ssyncadd.s32 $0xFFFFC000  }
0x3bd: {  	[hbm4b:s28+s3] =	stream.linear.scatter [tilespmem:s25], [sflag:$0x7], $0x4000, $0x38;
	[tilespmem:$0x18200] =	vst v63  }
0x3be: {  	_ =	swait.ge [sflag:s29], $0x4000  }
0x3bf: {  	s30 =	sld [smem:$0x7FD]  }
0x3c0: {  	[sflag:s29] =	ssyncset.done $0x0  }
0x3c1: {  	[sflag:s29] =	ssyncadd.s32 $0xFFFFC000  }
0x3c2: {  	[hbm4b:s30+s3] =	stream.linear.scatter [tilespmem:s22], [sflag:$0x8], $0x4000, $0x38;
	[tilespmem:$0x18200] =	vst v63  }
0x3c3: {  	_ =	swait.ge [sflag:s11], $0x4000  }
0x3c4: {  	[sflag:s11] =	ssyncset.done $0x0  }
0x3c5: {  	[sflag:s11] =	ssyncadd.s32 $0xFFFFC000  }
0x3c6: {  	_ =	swait.ge [sflag:s13], $0x4000  }
0x3c7: {  	[sflag:s13] =	ssyncset.done $0x0  }
0x3c8: {  	[sflag:s13] =	ssyncadd.s32 $0xFFFFC000  }
0x3c9: {  	_ =	swait.ge [sflag:s14], $0x4000  }
0x3ca: {  	[sflag:s14] =	ssyncset.done $0x0  }
0x3cb: {  	[sflag:s14] =	ssyncadd.s32 $0xFFFFC000  }
0x3cc: {  	_ =	swait.ge [sflag:s15], $0x4000  }
0x3cd: {  	[sflag:s15] =	ssyncset.done $0x0  }
0x3ce: {  	[sflag:s15] =	ssyncadd.s32 $0xFFFFC000  }
0x3cf: {  	p0 =	sne.s32 s1, $0x1;
	_ =	swait.ge [sflag:s16], $0x4000  }
.Ltmp0:
0x3d0: {  	[sflag:s16] =	ssyncset.done $0x0;
	(pc) =	sbr.rel @p0 .LBB2_1-.Ltmp0, $4  }
0x3d1: {  	[sflag:s16] =	ssyncadd.s32 $0xFFFFC000  }
0x3d2: {  	_ =	swait.ge [sflag:s17], $0x4000  }
0x3d3: {  	[sflag:s17] =	ssyncset.done $0x0  }
0x3d4: {  	s1 =	sadd.s32 $0xFFFFFFFF, s1;
	[sflag:s17] =	ssyncadd.s32 $0xFFFFC000  }
0x3d5: {  	_ =	sfence.sel $0x180000  }
0x3d6: {  	[bflag:$0x0] =	sbarrier.arrive $0xFFFF  }
0x3d7: {  	_ =	strace $0x90000047  }
0x3d8: {  	s0 =	stileid.u32;
	[bflag:$0x2] =	sbarrier.arrive $0xFFFF  }
0x3d9: {  	p0 =	sne.s32 s0, $0x0;
	s0 =	rddreg [dreg:$0x3]  }
0x3da: {  	s0 =	sadd.s32 @!p0 $0x100000, s0  }
0x3db: {  	[sflag:s0] =	ssyncadd.tile.s32 @!p0 $0x1;
	_ =	shalt  }
.Lfunc_end2:
_tile_overlayer_lowered:
.L_overlay_start_2:
0x3dc: {  	(tag) =	ssettag $0x2  }
0x3dd: {  	s0 =	rddreg [dreg:$0x0];
	s2 =	stileid.u32  }
0x3de: {  	s1 =	rddreg [dreg:$0x1];
	p0 =	sne.s32 s2, $0x0  }
0x3df: {  	s3 =	rddreg [dreg:$0x2];
	[bflag:$0x3] =	sbarrier.arrive $0xFFFF;
	s2 =	simm.s32 @!p0 $0x1C0D  }
0x3e0: {  	[timem:s3], [sflag:s2] =	dma.local @!p0 [hbm:s0], s1  }
0x3e1: {  	s0 =	simm.s32 @!p0 $0xD  }
0x3e2: {  	_ =	swait.ge @!p0 [sflag:s0], s1  }
0x3e3: {  	s1 =	ssub.s32 @!p0 $0x0, s1;
	[sflag:s0] =	ssyncset.done @!p0 $0x0  }
0x3e4: {  	[sflag:s0] =	ssyncadd.s32 @!p0 s1  }
0x3e5: {  	[bflag:$0x3] =	sbarrier.arrive $0xFFFF  }
0x3e6: {  	_ =	shalt  }

</sc_bundles>
